<compile_context>
chip_gen: v7x
topology: tpu7x:2x2x1
jax: 0.10.2.dev20260603
libtpu: 0.0.44.dev20260713+nightly
codegen_flags: <defaults>
</compile_context>

<pallas_src>
import functools

import jax
import jax.numpy as jnp
from jax import lax
from jax.experimental import pallas as pl
from jax.experimental.pallas import tpu as pltpu
from jax.experimental.pallas import tpu_sc as plsc

_VOCAB = 56
_D = 64
_ROWS, _COLS = 16384, 200
_B = _ROWS * _COLS
_NPAIR = _B // 2
_PT_ROWS = _VOCAB * _VOCAB
_NC, _NS = 2, 16
_NW = _NC * _NS
_PT_PER_S = _PT_ROWS // _NS
_SUB = 128
_NBUF = 4
_PAIRS_PER_W = _NPAIR // _NW
_IDXR_PER_W = _PAIRS_PER_W // _SUB

_mesh = plsc.VectorSubcoreMesh(
    core_axis_name="c", subcore_axis_name="s",
    num_cores=_NC, num_subcores=_NS,
)


def _pairidx_body(even_ref, odd_ref, out_ref):
    out_ref[...] = even_ref[...] * _VOCAB + odd_ref[...]


_pairidx = pl.pallas_call(
    _pairidx_body,
    out_shape=jax.ShapeDtypeStruct((_NPAIR // _SUB, _SUB), jnp.int32),
    grid=(8,),
    in_specs=[
        pl.BlockSpec((_NPAIR // _SUB // 8, _SUB), lambda i: (i, 0)),
        pl.BlockSpec((_NPAIR // _SUB // 8, _SUB), lambda i: (i, 0)),
    ],
    out_specs=pl.BlockSpec((_NPAIR // _SUB // 8, _SUB), lambda i: (i, 0)),
)


@functools.partial(
    pl.kernel,
    out_type=jax.ShapeDtypeStruct((_NPAIR, 2 * _D), jnp.float32),
    mesh=_mesh,
    scratch_types=[
        pltpu.VMEM((_VOCAB * _D,), jnp.float32),
        pltpu.VMEM((_IDXR_PER_W // 2, _SUB), jnp.int32),
        pltpu.VMEM((_NBUF * _SUB, 2 * _D), jnp.float32),
        pltpu.VMEM_SHARED((_PT_ROWS, 2 * _D), jnp.float32),
        pltpu.SemaphoreType.DMA,
        pltpu.SemaphoreType.DMA,
        pltpu.SemaphoreType.DMA,
        pltpu.SemaphoreType.DMA,
        pltpu.SemaphoreType.DMA,
        pltpu.SemaphoreType.DMA,
    ],
)
def _embed(pidx_hbm, wflat_hbm, out_hbm,
           wv, idxall, rows_v, pt_sh, isem, gsem, osem0, osem1, osem2, osem3):
    cid = lax.axis_index("c")
    sid = lax.axis_index("s")
    wid = sid * _NC + cid
    idxr0 = wid * _IDXR_PER_W
    pair0 = wid * _PAIRS_PER_W
    osems = (osem0, osem1, osem2, osem3)

    _HALF = _IDXR_PER_W // 2
    idesc = pltpu.async_copy(
        pidx_hbm.at[pl.ds(idxr0, _HALF)], idxall, isem)

    pltpu.sync_copy(wflat_hbm, wv)
    p0 = sid * _PT_PER_S

    def build_row(r, carry):
        a = (p0 + r) // _VOCAB
        b = (p0 + r) % _VOCAB
        for q in range(4):
            rows_v[r, pl.ds(q * 16, 16)] = wv[pl.ds(a * _D + q * 16, 16)]
            rows_v[r, pl.ds(_D + q * 16, 16)] = wv[pl.ds(b * _D + q * 16, 16)]
        return carry

    lax.fori_loop(0, _PT_PER_S, build_row, 0)
    pltpu.sync_copy(rows_v.at[pl.ds(0, _PT_PER_S)], pt_sh.at[pl.ds(p0, _PT_PER_S)])
    idesc.wait()
    plsc.subcore_barrier()

    def fire_gather(r, b):
        pltpu.async_copy(
            pt_sh.at[idxall.at[r]],
            rows_v.at[pl.ds(b * _SUB, _SUB)],
            gsem,
        )

    def fire_write(g, b):
        pltpu.async_copy(
            rows_v.at[pl.ds(b * _SUB, _SUB)],
            out_hbm.at[pl.ds(pair0 + g * _SUB, _SUB)],
            osems[b],
        )

    def drain_write(b):
        pltpu.make_async_copy(
            rows_v.at[pl.ds(b * _SUB, _SUB)],
            out_hbm.at[pl.ds(0, _SUB)],
            osems[b],
        ).wait()

    def drain_gather(r, b):
        pltpu.make_async_copy(
            pt_sh.at[idxall.at[r]],
            rows_v.at[pl.ds(b * _SUB, _SUB)],
            gsem,
        ).wait()

    for block in range(2):
        g0 = block * _HALF
        if block > 0:
            pltpu.sync_copy(
                pidx_hbm.at[pl.ds(idxr0 + g0, _HALF)], idxall)

        def body(h, carry, g0=g0):
            for b in range(_NBUF):
                r = _NBUF * h + b

                @pl.when(h >= 1)
                def _():
                    drain_write(b)

                fire_gather(r, b)
                pb = (b - 1) % _NBUF
                if b == 0:
                    @pl.when(h >= 1)
                    def _():
                        drain_gather(r - 1, pb)
                        fire_write(g0 + r - 1, pb)
                else:
                    drain_gather(r - 1, pb)
                    fire_write(g0 + r - 1, pb)
            return carry

        lax.fori_loop(0, _HALF // _NBUF, body, 0)
        last_b = _NBUF - 1
        drain_gather(_HALF - 1, last_b)
        fire_write(g0 + _HALF - 1, last_b)
        for b in range(_NBUF):
            drain_write(b)


_TBLK = 16384


def _transpose_body(in_ref, out_ref):
    blk = in_ref[...].reshape(_TBLK, 2 * _D)
    out_ref[...] = blk.T.reshape(2, _D, _TBLK)


_transpose = pl.pallas_call(
    _transpose_body,
    out_shape=jax.ShapeDtypeStruct((_COLS, _D, _ROWS), jnp.float32),
    grid=(_COLS // 2, _ROWS // _TBLK),
    in_specs=[
        pl.BlockSpec((1, _TBLK, 2 * _D), lambda p, c: (p, c, 0)),
    ],
    out_specs=pl.BlockSpec((2, _D, _TBLK), lambda p, c: (p, 0, c)),
)


def kernel(x, weight):
    x3 = x.reshape(_ROWS, _COLS // 2, 2).astype(jnp.int32)
    even = x3[:, :, 0].T.reshape(_NPAIR // _SUB, _SUB)
    odd = x3[:, :, 1].T.reshape(_NPAIR // _SUB, _SUB)
    pidx = _pairidx(even, odd)
    wflat = weight.reshape(_VOCAB * _D)
    pairs = _embed(pidx, wflat)
    out3 = _transpose(pairs.reshape(_COLS // 2, _ROWS, 2 * _D))
    return jnp.transpose(out3, (2, 0, 1))

# --- scband reference (transcript-rebuilt; emitter-appended) ---
"""Pipeline reference for scband-smiles-embbeding-40724879900799 (READ-ONLY COPY).

The authoritative reference and input builder live on the scoring server;
editing this copy changes nothing except your own understanding.
"""

import jax, jax.numpy as jnp
import numpy as np

NUM_EMBEDDINGS = 56
EMBEDDING_DIM = 64

def setup_inputs(seed: int = 0) -> dict:
    key = jax.random.key(seed)
    k_idx, k_w = jax.random.split(key)
    x = jax.random.randint(k_idx, (16384, 200), 0, NUM_EMBEDDINGS, dtype=jnp.int64 if jax.config.jax_enable_x64 else jnp.int32)
    weight = jax.random.normal(k_w, (NUM_EMBEDDINGS, EMBEDDING_DIM), dtype=jnp.float32)
    return {"x": x, "weight": weight}

def reference(x, weight):
    # Faithful translation of nn.Embedding forward: gather rows of the table.
    return jnp.take(weight, x, axis=0)

if __name__ == "__main__":
    import jax
    _d = setup_inputs()
    print(jax.jit(kernel)(*tuple(_d.values())))

</pallas_src>

<mosaic_0001>
#map = affine_map<(d0, d1) -> (0, 0)>
#map1 = affine_map<(d0, d1) -> (0)>
module attributes {stable_mosaic.version = 14 : i64} {
  func.func @_embed(%arg0: i32, %arg1: i32, %arg2: memref<12800x128xi32, #tpu.memory_space<hbm>>, %arg3: memref<3584xf32, #tpu.memory_space<hbm>>, %arg4: memref<1638400x128xf32, #tpu.memory_space<hbm>>, %arg5: memref<3584xf32, #tpu.memory_space<vmem>>, %arg6: memref<200x128xi32, #tpu.memory_space<vmem>>, %arg7: memref<512x128xf32, #tpu.memory_space<vmem>>, %arg8: memref<3136x128xf32, #tpu.memory_space<vmem_shared>>, %arg9: memref<!tpu.dma_semaphore, #tpu.memory_space<semaphore_mem>>, %arg10: memref<!tpu.dma_semaphore, #tpu.memory_space<semaphore_mem>>, %arg11: memref<!tpu.dma_semaphore, #tpu.memory_space<semaphore_mem>>, %arg12: memref<!tpu.dma_semaphore, #tpu.memory_space<semaphore_mem>>, %arg13: memref<!tpu.dma_semaphore, #tpu.memory_space<semaphore_mem>>, %arg14: memref<!tpu.dma_semaphore, #tpu.memory_space<semaphore_mem>>) attributes {dimension_semantics = [#tpu.dimension_semantics<core_parallel>, #tpu.dimension_semantics<subcore_parallel>], iteration_bounds = array<i64: 2, 16>, scalar_prefetch = 0 : i64, scratch_operands = 10 : i64, tpu.core_type = #tpu.core_type<sc_vector_subcore>, window_params = [{transform_indices = #map}, {transform_indices = #map1}, {transform_indices = #map}]} {
    %mul3A = arith.constant 2 : i32
    %mul3A_0 = arith.muli %arg1, %mul3A : i32
    %add3A = arith.addi %mul3A_0, %arg0 : i32
    %mul3A_1 = arith.constant 400 : i32
    %mul3A_2 = arith.muli %add3A, %mul3A_1 : i32
    %mul3A_3 = arith.constant 51200 : i32
    %mul3A_4 = arith.muli %add3A, %mul3A_3 : i32
    %dma_start3A = arith.constant 0 : i32
    %dma_start3A_5 = tpu.memref_slice %arg2[%mul3A_2, %dma_start3A] : memref<12800x128xi32, #tpu.memory_space<hbm>> -> memref<200x128xi32, #tpu.memory_space<hbm>>
    %dma_start3A_6 = arith.constant 0 : i32
    %dma_start3A_7 = tpu.memref_slice %arg2[%mul3A_2, %dma_start3A_6] : memref<12800x128xi32, #tpu.memory_space<hbm>> -> memref<200x128xi32, #tpu.memory_space<hbm>>
    tpu.enqueue_dma source(%dma_start3A_7 : memref<200x128xi32, #tpu.memory_space<hbm>>) target(%arg6 : memref<200x128xi32, #tpu.memory_space<vmem>>) target_semaphore(%arg9 : memref<!tpu.dma_semaphore, #tpu.memory_space<semaphore_mem>>)
    "tpu.region"() ({
      %run_scoped3A = tpu.sem_alloc : memref<!tpu.dma_semaphore, #tpu.memory_space<semaphore_mem>>
      tpu.enqueue_dma source(%arg3 : memref<3584xf32, #tpu.memory_space<hbm>>) target(%arg5 : memref<3584xf32, #tpu.memory_space<vmem>>) target_semaphore(%run_scoped3A : memref<!tpu.dma_semaphore, #tpu.memory_space<semaphore_mem>>)
      tpu.wait_dma2 semaphore(%run_scoped3A : memref<!tpu.dma_semaphore, #tpu.memory_space<semaphore_mem>>) src(%arg3 : memref<3584xf32, #tpu.memory_space<hbm>>) dst(%arg5 : memref<3584xf32, #tpu.memory_space<vmem>>)
      tpu.yield
    }) : () -> ()
    %mul3A_8 = arith.constant 196 : i32
    %mul3A_9 = arith.muli %arg1, %mul3A_8 : i32
    %scan3A = arith.constant 0 : i32
    %scan3A_10 = arith.constant 0 : i32
    %scan3A_11 = arith.constant 196 : i32
    %scan3A_12 = arith.addi %scan3A_10, %scan3A_11 : i32
    %scan3A_13 = arith.constant 1 : i32
    scf.for %scan3A_172 = %scan3A_10 to %scan3A_12 step %scan3A_13  : i32 {
      %add3A_173 = arith.addi %mul3A_9, %scan3A_172 : i32
      %jit3A = arith.constant 56 : i32
      %div3A = arith.divsi %add3A_173, %jit3A : i32
      %sign3A = arith.constant 0 : i32
      %sign3A_174 = arith.cmpi sgt, %add3A_173, %sign3A : i32
      %sign3A_175 = arith.extui %sign3A_174 : i1 to i32
      %sign3A_176 = arith.constant 0 : i32
      %sign3A_177 = arith.cmpi slt, %add3A_173, %sign3A_176 : i32
      %sign3A_178 = arith.extui %sign3A_177 : i1 to i32
      %sign3A_179 = arith.subi %sign3A_175, %sign3A_178 : i32
      %sign3A_180 = arith.constant 0 : i32
      %sign3A_181 = arith.cmpi sgt, %jit3A, %sign3A_180 : i32
      %sign3A_182 = arith.extui %sign3A_181 : i1 to i32
      %sign3A_183 = arith.constant 0 : i32
      %sign3A_184 = arith.cmpi slt, %jit3A, %sign3A_183 : i32
      %sign3A_185 = arith.extui %sign3A_184 : i1 to i32
      %sign3A_186 = arith.subi %sign3A_182, %sign3A_185 : i32
      %ne3A = arith.cmpi ne, %sign3A_179, %sign3A_186 : i32
      %rem3A = arith.remsi %add3A_173, %jit3A : i32
      %ne3A_187 = arith.constant 0 : i32
      %ne3A_188 = arith.cmpi ne, %rem3A, %ne3A_187 : i32
      %and3A = arith.andi %ne3A, %ne3A_188 : i1
      %sub3A = arith.constant 1 : i32
      %sub3A_189 = arith.subi %div3A, %sub3A : i32
      %select_n3A = arith.select %and3A, %sub3A_189, %div3A : i32
      %add3A_190 = arith.addi %mul3A_9, %scan3A_172 : i32
      %jit3A_191 = arith.constant 56 : i32
      %eq3A = arith.constant 0 : i32
      %eq3A_192 = arith.cmpi eq, %jit3A_191, %eq3A : i32
      %jit3A_193 = arith.constant 1 : i32
      %select_n3A_194 = arith.select %eq3A_192, %jit3A_193, %jit3A_191 : i32
      %rem3A_195 = arith.remsi %add3A_190, %select_n3A_194 : i32
      %ne3A_196 = arith.constant 0 : i32
      %ne3A_197 = arith.cmpi ne, %rem3A_195, %ne3A_196 : i32
      %lt3A = arith.constant 0 : i32
      %lt3A_198 = arith.cmpi slt, %rem3A_195, %lt3A : i32
      %lt3A_199 = arith.constant 0 : i32
      %lt3A_200 = arith.cmpi slt, %select_n3A_194, %lt3A_199 : i32
      %ne3A_201 = arith.xori %lt3A_198, %lt3A_200 : i1
      %and3A_202 = arith.andi %ne3A_201, %ne3A_197 : i1
      %add3A_203 = arith.addi %rem3A_195, %select_n3A_194 : i32
      %select_n3A_204 = arith.select %and3A_202, %add3A_203, %rem3A_195 : i32
      %mul3A_205 = arith.constant 64 : i32
      %mul3A_206 = arith.muli %select_n3A, %mul3A_205 : i32
      %add3A_207 = arith.constant 0 : i32
      %add3A_208 = arith.addi %mul3A_206, %add3A_207 : i32
      %get3A = arith.index_cast %add3A_208 : i32 to index
      %get3A_209 = tpu.vector_load %arg5[%get3A] {strides = array<i32>} : memref<3584xf32, #tpu.memory_space<vmem>>, vector<16xf32>,
      %get3A_210 = vector.shape_cast %get3A_209 : vector<16xf32> to vector<16xf32>
      %swap3A = arith.index_cast %scan3A_172 : i32 to index
      %swap3A_211 = arith.constant 0 : index
      %swap3A_212 = tpu.vector_load %arg7[%swap3A, %swap3A_211] {strides = array<i32>} : memref<512x128xf32, #tpu.memory_space<vmem>>, vector<1x16xf32>,
      %swap3A_213 = vector.shape_cast %swap3A_212 : vector<1x16xf32> to vector<16xf32>
      %swap3A_214 = vector.shape_cast %get3A_210 : vector<16xf32> to vector<1x16xf32>
      tpu.vector_store %arg7[%swap3A, %swap3A_211], %swap3A_214 {strides = array<i32>} : memref<512x128xf32, #tpu.memory_space<vmem>>, vector<1x16xf32>,
      %mul3A_215 = arith.constant 64 : i32
      %mul3A_216 = arith.muli %select_n3A_204, %mul3A_215 : i32
      %add3A_217 = arith.constant 0 : i32
      %add3A_218 = arith.addi %mul3A_216, %add3A_217 : i32
      %get3A_219 = arith.index_cast %add3A_218 : i32 to index
      %get3A_220 = tpu.vector_load %arg5[%get3A_219] {strides = array<i32>} : memref<3584xf32, #tpu.memory_space<vmem>>, vector<16xf32>,
      %get3A_221 = vector.shape_cast %get3A_220 : vector<16xf32> to vector<16xf32>
      %swap3A_222 = arith.index_cast %scan3A_172 : i32 to index
      %swap3A_223 = arith.constant 64 : index
      %swap3A_224 = tpu.vector_load %arg7[%swap3A_222, %swap3A_223] {strides = array<i32>} : memref<512x128xf32, #tpu.memory_space<vmem>>, vector<1x16xf32>,
      %swap3A_225 = vector.shape_cast %swap3A_224 : vector<1x16xf32> to vector<16xf32>
      %swap3A_226 = vector.shape_cast %get3A_221 : vector<16xf32> to vector<1x16xf32>
      tpu.vector_store %arg7[%swap3A_222, %swap3A_223], %swap3A_226 {strides = array<i32>} : memref<512x128xf32, #tpu.memory_space<vmem>>, vector<1x16xf32>,
      %mul3A_227 = arith.constant 64 : i32
      %mul3A_228 = arith.muli %select_n3A, %mul3A_227 : i32
      %add3A_229 = arith.constant 16 : i32
      %add3A_230 = arith.addi %mul3A_228, %add3A_229 : i32
      %get3A_231 = arith.index_cast %add3A_230 : i32 to index
      %get3A_232 = tpu.vector_load %arg5[%get3A_231] {strides = array<i32>} : memref<3584xf32, #tpu.memory_space<vmem>>, vector<16xf32>,
      %get3A_233 = vector.shape_cast %get3A_232 : vector<16xf32> to vector<16xf32>
      %swap3A_234 = arith.index_cast %scan3A_172 : i32 to index
      %swap3A_235 = arith.constant 16 : index
      %swap3A_236 = tpu.vector_load %arg7[%swap3A_234, %swap3A_235] {strides = array<i32>} : memref<512x128xf32, #tpu.memory_space<vmem>>, vector<1x16xf32>,
      %swap3A_237 = vector.shape_cast %swap3A_236 : vector<1x16xf32> to vector<16xf32>
      %swap3A_238 = vector.shape_cast %get3A_233 : vector<16xf32> to vector<1x16xf32>
      tpu.vector_store %arg7[%swap3A_234, %swap3A_235], %swap3A_238 {strides = array<i32>} : memref<512x128xf32, #tpu.memory_space<vmem>>, vector<1x16xf32>,
      %mul3A_239 = arith.constant 64 : i32
      %mul3A_240 = arith.muli %select_n3A_204, %mul3A_239 : i32
      %add3A_241 = arith.constant 16 : i32
      %add3A_242 = arith.addi %mul3A_240, %add3A_241 : i32
      %get3A_243 = arith.index_cast %add3A_242 : i32 to index
      %get3A_244 = tpu.vector_load %arg5[%get3A_243] {strides = array<i32>} : memref<3584xf32, #tpu.memory_space<vmem>>, vector<16xf32>,
      %get3A_245 = vector.shape_cast %get3A_244 : vector<16xf32> to vector<16xf32>
      %swap3A_246 = arith.index_cast %scan3A_172 : i32 to index
      %swap3A_247 = arith.constant 80 : index
      %swap3A_248 = tpu.vector_load %arg7[%swap3A_246, %swap3A_247] {strides = array<i32>} : memref<512x128xf32, #tpu.memory_space<vmem>>, vector<1x16xf32>,
      %swap3A_249 = vector.shape_cast %swap3A_248 : vector<1x16xf32> to vector<16xf32>
      %swap3A_250 = vector.shape_cast %get3A_245 : vector<16xf32> to vector<1x16xf32>
      tpu.vector_store %arg7[%swap3A_246, %swap3A_247], %swap3A_250 {strides = array<i32>} : memref<512x128xf32, #tpu.memory_space<vmem>>, vector<1x16xf32>,
      %mul3A_251 = arith.constant 64 : i32
      %mul3A_252 = arith.muli %select_n3A, %mul3A_251 : i32
      %add3A_253 = arith.constant 32 : i32
      %add3A_254 = arith.addi %mul3A_252, %add3A_253 : i32
      %get3A_255 = arith.index_cast %add3A_254 : i32 to index
      %get3A_256 = tpu.vector_load %arg5[%get3A_255] {strides = array<i32>} : memref<3584xf32, #tpu.memory_space<vmem>>, vector<16xf32>,
      %get3A_257 = vector.shape_cast %get3A_256 : vector<16xf32> to vector<16xf32>
      %swap3A_258 = arith.index_cast %scan3A_172 : i32 to index
      %swap3A_259 = arith.constant 32 : index
      %swap3A_260 = tpu.vector_load %arg7[%swap3A_258, %swap3A_259] {strides = array<i32>} : memref<512x128xf32, #tpu.memory_space<vmem>>, vector<1x16xf32>,
      %swap3A_261 = vector.shape_cast %swap3A_260 : vector<1x16xf32> to vector<16xf32>
      %swap3A_262 = vector.shape_cast %get3A_257 : vector<16xf32> to vector<1x16xf32>
      tpu.vector_store %arg7[%swap3A_258, %swap3A_259], %swap3A_262 {strides = array<i32>} : memref<512x128xf32, #tpu.memory_space<vmem>>, vector<1x16xf32>,
      %mul3A_263 = arith.constant 64 : i32
      %mul3A_264 = arith.muli %select_n3A_204, %mul3A_263 : i32
      %add3A_265 = arith.constant 32 : i32
      %add3A_266 = arith.addi %mul3A_264, %add3A_265 : i32
      %get3A_267 = arith.index_cast %add3A_266 : i32 to index
      %get3A_268 = tpu.vector_load %arg5[%get3A_267] {strides = array<i32>} : memref<3584xf32, #tpu.memory_space<vmem>>, vector<16xf32>,
      %get3A_269 = vector.shape_cast %get3A_268 : vector<16xf32> to vector<16xf32>
      %swap3A_270 = arith.index_cast %scan3A_172 : i32 to index
      %swap3A_271 = arith.constant 96 : index
      %swap3A_272 = tpu.vector_load %arg7[%swap3A_270, %swap3A_271] {strides = array<i32>} : memref<512x128xf32, #tpu.memory_space<vmem>>, vector<1x16xf32>,
      %swap3A_273 = vector.shape_cast %swap3A_272 : vector<1x16xf32> to vector<16xf32>
      %swap3A_274 = vector.shape_cast %get3A_269 : vector<16xf32> to vector<1x16xf32>
      tpu.vector_store %arg7[%swap3A_270, %swap3A_271], %swap3A_274 {strides = array<i32>} : memref<512x128xf32, #tpu.memory_space<vmem>>, vector<1x16xf32>,
      %mul3A_275 = arith.constant 64 : i32
      %mul3A_276 = arith.muli %select_n3A, %mul3A_275 : i32
      %add3A_277 = arith.constant 48 : i32
      %add3A_278 = arith.addi %mul3A_276, %add3A_277 : i32
      %get3A_279 = arith.index_cast %add3A_278 : i32 to index
      %get3A_280 = tpu.vector_load %arg5[%get3A_279] {strides = array<i32>} : memref<3584xf32, #tpu.memory_space<vmem>>, vector<16xf32>,
      %get3A_281 = vector.shape_cast %get3A_280 : vector<16xf32> to vector<16xf32>
      %swap3A_282 = arith.index_cast %scan3A_172 : i32 to index
      %swap3A_283 = arith.constant 48 : index
      %swap3A_284 = tpu.vector_load %arg7[%swap3A_282, %swap3A_283] {strides = array<i32>} : memref<512x128xf32, #tpu.memory_space<vmem>>, vector<1x16xf32>,
      %swap3A_285 = vector.shape_cast %swap3A_284 : vector<1x16xf32> to vector<16xf32>
      %swap3A_286 = vector.shape_cast %get3A_281 : vector<16xf32> to vector<1x16xf32>
      tpu.vector_store %arg7[%swap3A_282, %swap3A_283], %swap3A_286 {strides = array<i32>} : memref<512x128xf32, #tpu.memory_space<vmem>>, vector<1x16xf32>,
      %mul3A_287 = arith.constant 64 : i32
      %mul3A_288 = arith.muli %select_n3A_204, %mul3A_287 : i32
      %add3A_289 = arith.constant 48 : i32
      %add3A_290 = arith.addi %mul3A_288, %add3A_289 : i32
      %get3A_291 = arith.index_cast %add3A_290 : i32 to index
      %get3A_292 = tpu.vector_load %arg5[%get3A_291] {strides = array<i32>} : memref<3584xf32, #tpu.memory_space<vmem>>, vector<16xf32>,
      %get3A_293 = vector.shape_cast %get3A_292 : vector<16xf32> to vector<16xf32>
      %swap3A_294 = arith.index_cast %scan3A_172 : i32 to index
      %swap3A_295 = arith.constant 112 : index
      %swap3A_296 = tpu.vector_load %arg7[%swap3A_294, %swap3A_295] {strides = array<i32>} : memref<512x128xf32, #tpu.memory_space<vmem>>, vector<1x16xf32>,
      %swap3A_297 = vector.shape_cast %swap3A_296 : vector<1x16xf32> to vector<16xf32>
      %swap3A_298 = vector.shape_cast %get3A_293 : vector<16xf32> to vector<1x16xf32>
      tpu.vector_store %arg7[%swap3A_294, %swap3A_295], %swap3A_298 {strides = array<i32>} : memref<512x128xf32, #tpu.memory_space<vmem>>, vector<1x16xf32>,
    }
    %scan3A_14 = arith.constant 196 : i32
    "tpu.region"() ({
      %run_scoped3A = tpu.sem_alloc : memref<!tpu.dma_semaphore, #tpu.memory_space<semaphore_mem>>
      %dma_start3A_172 = arith.constant 0 : i32
      %dma_start3A_173 = arith.constant 0 : i32
      %dma_start3A_174 = tpu.memref_slice %arg7[%dma_start3A_172, %dma_start3A_173] : memref<512x128xf32, #tpu.memory_space<vmem>> -> memref<196x128xf32, #tpu.memory_space<vmem>>
      %dma_start3A_175 = arith.constant 0 : i32
      %dma_start3A_176 = tpu.memref_slice %arg8[%mul3A_9, %dma_start3A_175] : memref<3136x128xf32, #tpu.memory_space<vmem_shared>> -> memref<196x128xf32, #tpu.memory_space<vmem_shared>>
      %dma_start3A_177 = arith.constant 0 : i32
      %dma_start3A_178 = tpu.memref_slice %arg8[%mul3A_9, %dma_start3A_177] : memref<3136x128xf32, #tpu.memory_space<vmem_shared>> -> memref<196x128xf32, #tpu.memory_space<vmem_shared>>
      %dma_start3A_179 = arith.constant 0 : i32
      %dma_start3A_180 = arith.constant 0 : i32
      %dma_start3A_181 = tpu.memref_slice %arg7[%dma_start3A_179, %dma_start3A_180] : memref<512x128xf32, #tpu.memory_space<vmem>> -> memref<196x128xf32, #tpu.memory_space<vmem>>
      tpu.enqueue_dma source(%dma_start3A_181 : memref<196x128xf32, #tpu.memory_space<vmem>>) target(%dma_start3A_178 : memref<196x128xf32, #tpu.memory_space<vmem_shared>>) target_semaphore(%run_scoped3A : memref<!tpu.dma_semaphore, #tpu.memory_space<semaphore_mem>>)
      %dma_wait3A_182 = arith.constant 0 : i32
      %dma_wait3A_183 = arith.constant 0 : i32
      %dma_wait3A_184 = tpu.memref_slice %arg7[%dma_wait3A_182, %dma_wait3A_183] : memref<512x128xf32, #tpu.memory_space<vmem>> -> memref<196x128xf32, #tpu.memory_space<vmem>>
      %dma_wait3A_185 = arith.constant 0 : i32
      %dma_wait3A_186 = tpu.memref_slice %arg8[%mul3A_9, %dma_wait3A_185] : memref<3136x128xf32, #tpu.memory_space<vmem_shared>> -> memref<196x128xf32, #tpu.memory_space<vmem_shared>>
      %dma_wait3A_187 = arith.constant 0 : i32
      %dma_wait3A_188 = tpu.memref_slice %arg8[%mul3A_9, %dma_wait3A_187] : memref<3136x128xf32, #tpu.memory_space<vmem_shared>> -> memref<196x128xf32, #tpu.memory_space<vmem_shared>>
      %dma_wait3A_189 = arith.constant 0 : i32
      %dma_wait3A_190 = arith.constant 0 : i32
      %dma_wait3A_191 = tpu.memref_slice %arg7[%dma_wait3A_189, %dma_wait3A_190] : memref<512x128xf32, #tpu.memory_space<vmem>> -> memref<196x128xf32, #tpu.memory_space<vmem>>
      tpu.wait_dma2 semaphore(%run_scoped3A : memref<!tpu.dma_semaphore, #tpu.memory_space<semaphore_mem>>) src(%dma_wait3A_191 : memref<196x128xf32, #tpu.memory_space<vmem>>) dst(%dma_wait3A_188 : memref<196x128xf32, #tpu.memory_space<vmem_shared>>)
      tpu.yield
    }) : () -> ()
    %dma_wait3A = arith.constant 0 : i32
    %dma_wait3A_15 = tpu.memref_slice %arg2[%mul3A_2, %dma_wait3A] : memref<12800x128xi32, #tpu.memory_space<hbm>> -> memref<200x128xi32, #tpu.memory_space<hbm>>
    %dma_wait3A_16 = arith.constant 0 : i32
    %dma_wait3A_17 = tpu.memref_slice %arg2[%mul3A_2, %dma_wait3A_16] : memref<12800x128xi32, #tpu.memory_space<hbm>> -> memref<200x128xi32, #tpu.memory_space<hbm>>
    tpu.wait_dma2 semaphore(%arg9 : memref<!tpu.dma_semaphore, #tpu.memory_space<semaphore_mem>>) src(%dma_wait3A_17 : memref<200x128xi32, #tpu.memory_space<hbm>>) dst(%arg6 : memref<200x128xi32, #tpu.memory_space<vmem>>)
    %barrier3A = arith.constant 0 : index
    tpu.barrier barrier_id(%barrier3A)
    %scan3A_18 = arith.constant 0 : i32
    %scan3A_19 = arith.constant 0 : i32
    %scan3A_20 = arith.constant 50 : i32
    %scan3A_21 = arith.addi %scan3A_19, %scan3A_20 : i32
    %scan3A_22 = arith.constant 1 : i32
    scf.for %scan3A_172 = %scan3A_19 to %scan3A_21 step %scan3A_22  : i32 {
      %mul3A_173 = arith.constant 4 : i32
      %mul3A_174 = arith.muli %mul3A_173, %scan3A_172 : i32
      %add3A_175 = arith.constant 0 : i32
      %add3A_176 = arith.addi %mul3A_174, %add3A_175 : i32
      %ge3A = arith.constant 1 : i32
      %ge3A_177 = arith.cmpi sge, %scan3A_172, %ge3A : i32
      %convert_element_type3A = arith.extui %ge3A_177 : i1 to i32
      %cond3A = arith.constant 0 : i32
      %cond3A_178 = arith.cmpi ne, %convert_element_type3A, %cond3A : i32
      scf.if %cond3A_178 {
        %dma_wait3A_330 = arith.constant 0 : i32
        %dma_wait3A_331 = arith.constant 0 : i32
        %dma_wait3A_332 = tpu.memref_slice %arg7[%dma_wait3A_330, %dma_wait3A_331] : memref<512x128xf32, #tpu.memory_space<vmem>> -> memref<128x128xf32, #tpu.memory_space<vmem>>
        %dma_wait3A_333 = arith.constant 0 : i32
        %dma_wait3A_334 = arith.constant 0 : i32
        %dma_wait3A_335 = tpu.memref_slice %arg4[%dma_wait3A_333, %dma_wait3A_334] : memref<1638400x128xf32, #tpu.memory_space<hbm>> -> memref<128x128xf32, #tpu.memory_space<hbm>>
        %dma_wait3A_336 = arith.constant 0 : i32
        %dma_wait3A_337 = arith.constant 0 : i32
        %dma_wait3A_338 = tpu.memref_slice %arg4[%dma_wait3A_336, %dma_wait3A_337] : memref<1638400x128xf32, #tpu.memory_space<hbm>> -> memref<128x128xf32, #tpu.memory_space<hbm>>
        %dma_wait3A_339 = arith.constant 0 : i32
        %dma_wait3A_340 = arith.constant 0 : i32
        %dma_wait3A_341 = tpu.memref_slice %arg7[%dma_wait3A_339, %dma_wait3A_340] : memref<512x128xf32, #tpu.memory_space<vmem>> -> memref<128x128xf32, #tpu.memory_space<vmem>>
        tpu.wait_dma2 semaphore(%arg11 : memref<!tpu.dma_semaphore, #tpu.memory_space<semaphore_mem>>) src(%dma_wait3A_341 : memref<128x128xf32, #tpu.memory_space<vmem>>) dst(%dma_wait3A_338 : memref<128x128xf32, #tpu.memory_space<hbm>>)
      } else {
      }
      %dma_start3A_179 = arith.constant 0 : i32
      %dma_start3A_180 = arith.constant 0 : i32
      %dma_start3A_181 = tpu.memref_slice %arg7[%dma_start3A_179, %dma_start3A_180] : memref<512x128xf32, #tpu.memory_space<vmem>> -> memref<128x128xf32, #tpu.memory_space<vmem>>
      %dma_start3A_182 = arith.constant 0 : i32
      %dma_start3A_183 = tpu.memref_slice %arg6[%add3A_176, %dma_start3A_182] : memref<200x128xi32, #tpu.memory_space<vmem>> -> memref<1x128xi32, #tpu.memory_space<vmem>>
      %dma_start3A_184 = tpu.memref_squeeze %dma_start3A_183 : memref<1x128xi32, #tpu.memory_space<vmem>> -> memref<128xi32, #tpu.memory_space<vmem>>
      %dma_start3A_185 = arith.constant 0 : i32
      %dma_start3A_186 = arith.constant 0 : i32
      %dma_start3A_187 = tpu.memref_slice %arg8[%dma_start3A_185, %dma_start3A_186] : memref<3136x128xf32, #tpu.memory_space<vmem_shared>> -> memref<3136x128xf32, #tpu.memory_space<vmem_shared>>
      tpu.enqueue_indirect_dma source(%dma_start3A_187 : memref<3136x128xf32, #tpu.memory_space<vmem_shared>>) target(%dma_start3A_181 : memref<128x128xf32, #tpu.memory_space<vmem>>) offsets(%dma_start3A_184 : memref<128xi32, #tpu.memory_space<vmem>>) semaphore(%arg10 : memref<!tpu.dma_semaphore, #tpu.memory_space<semaphore_mem>>)
      %ge3A_188 = arith.constant 1 : i32
      %ge3A_189 = arith.cmpi sge, %scan3A_172, %ge3A_188 : i32
      %convert_element_type3A_190 = arith.extui %ge3A_189 : i1 to i32
      %cond3A_191 = arith.constant 0 : i32
      %cond3A_192 = arith.cmpi ne, %convert_element_type3A_190, %cond3A_191 : i32
      scf.if %cond3A_192 {
        %sub3A_330 = arith.constant 1 : i32
        %sub3A_331 = arith.subi %add3A_176, %sub3A_330 : i32
        %dma_wait3A_332 = arith.constant 384 : i32
        %dma_wait3A_333 = arith.constant 0 : i32
        %dma_wait3A_334 = tpu.memref_slice %arg7[%dma_wait3A_332, %dma_wait3A_333] : memref<512x128xf32, #tpu.memory_space<vmem>> -> memref<128x128xf32, #tpu.memory_space<vmem>>
        %dma_wait3A_335 = arith.constant 0 : i32
        %dma_wait3A_336 = tpu.memref_slice %arg6[%sub3A_331, %dma_wait3A_335] : memref<200x128xi32, #tpu.memory_space<vmem>> -> memref<1x128xi32, #tpu.memory_space<vmem>>
        %dma_wait3A_337 = tpu.memref_squeeze %dma_wait3A_336 : memref<1x128xi32, #tpu.memory_space<vmem>> -> memref<128xi32, #tpu.memory_space<vmem>>
        %dma_wait3A_338 = arith.constant 0 : i32
        %dma_wait3A_339 = arith.constant 0 : i32
        %dma_wait3A_340 = tpu.memref_slice %arg8[%dma_wait3A_338, %dma_wait3A_339] : memref<3136x128xf32, #tpu.memory_space<vmem_shared>> -> memref<3136x128xf32, #tpu.memory_space<vmem_shared>>
        tpu.wait_indirect_dma semaphore(%arg10 : memref<!tpu.dma_semaphore, #tpu.memory_space<semaphore_mem>>) src(%dma_wait3A_340 : memref<3136x128xf32, #tpu.memory_space<vmem_shared>>) dst(%dma_wait3A_334 : memref<128x128xf32, #tpu.memory_space<vmem>>)
        %add3A_341 = arith.constant 0 : i32
        %add3A_342 = arith.addi %add3A_341, %add3A_176 : i32
        %sub3A_343 = arith.constant 1 : i32
        %sub3A_344 = arith.subi %add3A_342, %sub3A_343 : i32
        %mul3A_345 = arith.constant 128 : i32
        %mul3A_346 = arith.muli %sub3A_344, %mul3A_345 : i32
        %add3A_347 = arith.addi %mul3A_4, %mul3A_346 : i32
        %dma_start3A_348 = arith.constant 384 : i32
        %dma_start3A_349 = arith.constant 0 : i32
        %dma_start3A_350 = tpu.memref_slice %arg7[%dma_start3A_348, %dma_start3A_349] : memref<512x128xf32, #tpu.memory_space<vmem>> -> memref<128x128xf32, #tpu.memory_space<vmem>>
        %dma_start3A_351 = arith.constant 0 : i32
        %dma_start3A_352 = tpu.memref_slice %arg4[%add3A_347, %dma_start3A_351] : memref<1638400x128xf32, #tpu.memory_space<hbm>> -> memref<128x128xf32, #tpu.memory_space<hbm>>
        %dma_start3A_353 = arith.constant 0 : i32
        %dma_start3A_354 = tpu.memref_slice %arg4[%add3A_347, %dma_start3A_353] : memref<1638400x128xf32, #tpu.memory_space<hbm>> -> memref<128x128xf32, #tpu.memory_space<hbm>>
        %dma_start3A_355 = arith.constant 384 : i32
        %dma_start3A_356 = arith.constant 0 : i32
        %dma_start3A_357 = tpu.memref_slice %arg7[%dma_start3A_355, %dma_start3A_356] : memref<512x128xf32, #tpu.memory_space<vmem>> -> memref<128x128xf32, #tpu.memory_space<vmem>>
        tpu.enqueue_dma source(%dma_start3A_357 : memref<128x128xf32, #tpu.memory_space<vmem>>) target(%dma_start3A_354 : memref<128x128xf32, #tpu.memory_space<hbm>>) target_semaphore(%arg14 : memref<!tpu.dma_semaphore, #tpu.memory_space<semaphore_mem>>)
      } else {
      }
      %mul3A_193 = arith.constant 4 : i32
      %mul3A_194 = arith.muli %mul3A_193, %scan3A_172 : i32
      %add3A_195 = arith.constant 1 : i32
      %add3A_196 = arith.addi %mul3A_194, %add3A_195 : i32
      %ge3A_197 = arith.constant 1 : i32
      %ge3A_198 = arith.cmpi sge, %scan3A_172, %ge3A_197 : i32
      %convert_element_type3A_199 = arith.extui %ge3A_198 : i1 to i32
      %cond3A_200 = arith.constant 0 : i32
      %cond3A_201 = arith.cmpi ne, %convert_element_type3A_199, %cond3A_200 : i32
      scf.if %cond3A_201 {
        %dma_wait3A_330 = arith.constant 128 : i32
        %dma_wait3A_331 = arith.constant 0 : i32
        %dma_wait3A_332 = tpu.memref_slice %arg7[%dma_wait3A_330, %dma_wait3A_331] : memref<512x128xf32, #tpu.memory_space<vmem>> -> memref<128x128xf32, #tpu.memory_space<vmem>>
        %dma_wait3A_333 = arith.constant 0 : i32
        %dma_wait3A_334 = arith.constant 0 : i32
        %dma_wait3A_335 = tpu.memref_slice %arg4[%dma_wait3A_333, %dma_wait3A_334] : memref<1638400x128xf32, #tpu.memory_space<hbm>> -> memref<128x128xf32, #tpu.memory_space<hbm>>
        %dma_wait3A_336 = arith.constant 0 : i32
        %dma_wait3A_337 = arith.constant 0 : i32
        %dma_wait3A_338 = tpu.memref_slice %arg4[%dma_wait3A_336, %dma_wait3A_337] : memref<1638400x128xf32, #tpu.memory_space<hbm>> -> memref<128x128xf32, #tpu.memory_space<hbm>>
        %dma_wait3A_339 = arith.constant 128 : i32
        %dma_wait3A_340 = arith.constant 0 : i32
        %dma_wait3A_341 = tpu.memref_slice %arg7[%dma_wait3A_339, %dma_wait3A_340] : memref<512x128xf32, #tpu.memory_space<vmem>> -> memref<128x128xf32, #tpu.memory_space<vmem>>
        tpu.wait_dma2 semaphore(%arg12 : memref<!tpu.dma_semaphore, #tpu.memory_space<semaphore_mem>>) src(%dma_wait3A_341 : memref<128x128xf32, #tpu.memory_space<vmem>>) dst(%dma_wait3A_338 : memref<128x128xf32, #tpu.memory_space<hbm>>)
      } else {
      }
      %dma_start3A_202 = arith.constant 128 : i32
      %dma_start3A_203 = arith.constant 0 : i32
      %dma_start3A_204 = tpu.memref_slice %arg7[%dma_start3A_202, %dma_start3A_203] : memref<512x128xf32, #tpu.memory_space<vmem>> -> memref<128x128xf32, #tpu.memory_space<vmem>>
      %dma_start3A_205 = arith.constant 0 : i32
      %dma_start3A_206 = tpu.memref_slice %arg6[%add3A_196, %dma_start3A_205] : memref<200x128xi32, #tpu.memory_space<vmem>> -> memref<1x128xi32, #tpu.memory_space<vmem>>
      %dma_start3A_207 = tpu.memref_squeeze %dma_start3A_206 : memref<1x128xi32, #tpu.memory_space<vmem>> -> memref<128xi32, #tpu.memory_space<vmem>>
      %dma_start3A_208 = arith.constant 0 : i32
      %dma_start3A_209 = arith.constant 0 : i32
      %dma_start3A_210 = tpu.memref_slice %arg8[%dma_start3A_208, %dma_start3A_209] : memref<3136x128xf32, #tpu.memory_space<vmem_shared>> -> memref<3136x128xf32, #tpu.memory_space<vmem_shared>>
      tpu.enqueue_indirect_dma source(%dma_start3A_210 : memref<3136x128xf32, #tpu.memory_space<vmem_shared>>) target(%dma_start3A_204 : memref<128x128xf32, #tpu.memory_space<vmem>>) offsets(%dma_start3A_207 : memref<128xi32, #tpu.memory_space<vmem>>) semaphore(%arg10 : memref<!tpu.dma_semaphore, #tpu.memory_space<semaphore_mem>>)
      %sub3A = arith.constant 1 : i32
      %sub3A_211 = arith.subi %add3A_196, %sub3A : i32
      %dma_wait3A_212 = arith.constant 0 : i32
      %dma_wait3A_213 = arith.constant 0 : i32
      %dma_wait3A_214 = tpu.memref_slice %arg7[%dma_wait3A_212, %dma_wait3A_213] : memref<512x128xf32, #tpu.memory_space<vmem>> -> memref<128x128xf32, #tpu.memory_space<vmem>>
      %dma_wait3A_215 = arith.constant 0 : i32
      %dma_wait3A_216 = tpu.memref_slice %arg6[%sub3A_211, %dma_wait3A_215] : memref<200x128xi32, #tpu.memory_space<vmem>> -> memref<1x128xi32, #tpu.memory_space<vmem>>
      %dma_wait3A_217 = tpu.memref_squeeze %dma_wait3A_216 : memref<1x128xi32, #tpu.memory_space<vmem>> -> memref<128xi32, #tpu.memory_space<vmem>>
      %dma_wait3A_218 = arith.constant 0 : i32
      %dma_wait3A_219 = arith.constant 0 : i32
      %dma_wait3A_220 = tpu.memref_slice %arg8[%dma_wait3A_218, %dma_wait3A_219] : memref<3136x128xf32, #tpu.memory_space<vmem_shared>> -> memref<3136x128xf32, #tpu.memory_space<vmem_shared>>
      tpu.wait_indirect_dma semaphore(%arg10 : memref<!tpu.dma_semaphore, #tpu.memory_space<semaphore_mem>>) src(%dma_wait3A_220 : memref<3136x128xf32, #tpu.memory_space<vmem_shared>>) dst(%dma_wait3A_214 : memref<128x128xf32, #tpu.memory_space<vmem>>)
      %add3A_221 = arith.constant 0 : i32
      %add3A_222 = arith.addi %add3A_221, %add3A_196 : i32
      %sub3A_223 = arith.constant 1 : i32
      %sub3A_224 = arith.subi %add3A_222, %sub3A_223 : i32
      %mul3A_225 = arith.constant 128 : i32
      %mul3A_226 = arith.muli %sub3A_224, %mul3A_225 : i32
      %add3A_227 = arith.addi %mul3A_4, %mul3A_226 : i32
      %dma_start3A_228 = arith.constant 0 : i32
      %dma_start3A_229 = arith.constant 0 : i32
      %dma_start3A_230 = tpu.memref_slice %arg7[%dma_start3A_228, %dma_start3A_229] : memref<512x128xf32, #tpu.memory_space<vmem>> -> memref<128x128xf32, #tpu.memory_space<vmem>>
      %dma_start3A_231 = arith.constant 0 : i32
      %dma_start3A_232 = tpu.memref_slice %arg4[%add3A_227, %dma_start3A_231] : memref<1638400x128xf32, #tpu.memory_space<hbm>> -> memref<128x128xf32, #tpu.memory_space<hbm>>
      %dma_start3A_233 = arith.constant 0 : i32
      %dma_start3A_234 = tpu.memref_slice %arg4[%add3A_227, %dma_start3A_233] : memref<1638400x128xf32, #tpu.memory_space<hbm>> -> memref<128x128xf32, #tpu.memory_space<hbm>>
      %dma_start3A_235 = arith.constant 0 : i32
      %dma_start3A_236 = arith.constant 0 : i32
      %dma_start3A_237 = tpu.memref_slice %arg7[%dma_start3A_235, %dma_start3A_236] : memref<512x128xf32, #tpu.memory_space<vmem>> -> memref<128x128xf32, #tpu.memory_space<vmem>>
      tpu.enqueue_dma source(%dma_start3A_237 : memref<128x128xf32, #tpu.memory_space<vmem>>) target(%dma_start3A_234 : memref<128x128xf32, #tpu.memory_space<hbm>>) target_semaphore(%arg11 : memref<!tpu.dma_semaphore, #tpu.memory_space<semaphore_mem>>)
      %mul3A_238 = arith.constant 4 : i32
      %mul3A_239 = arith.muli %mul3A_238, %scan3A_172 : i32
      %add3A_240 = arith.constant 2 : i32
      %add3A_241 = arith.addi %mul3A_239, %add3A_240 : i32
      %ge3A_242 = arith.constant 1 : i32
      %ge3A_243 = arith.cmpi sge, %scan3A_172, %ge3A_242 : i32
      %convert_element_type3A_244 = arith.extui %ge3A_243 : i1 to i32
      %cond3A_245 = arith.constant 0 : i32
      %cond3A_246 = arith.cmpi ne, %convert_element_type3A_244, %cond3A_245 : i32
      scf.if %cond3A_246 {
        %dma_wait3A_330 = arith.constant 256 : i32
        %dma_wait3A_331 = arith.constant 0 : i32
        %dma_wait3A_332 = tpu.memref_slice %arg7[%dma_wait3A_330, %dma_wait3A_331] : memref<512x128xf32, #tpu.memory_space<vmem>> -> memref<128x128xf32, #tpu.memory_space<vmem>>
        %dma_wait3A_333 = arith.constant 0 : i32
        %dma_wait3A_334 = arith.constant 0 : i32
        %dma_wait3A_335 = tpu.memref_slice %arg4[%dma_wait3A_333, %dma_wait3A_334] : memref<1638400x128xf32, #tpu.memory_space<hbm>> -> memref<128x128xf32, #tpu.memory_space<hbm>>
        %dma_wait3A_336 = arith.constant 0 : i32
        %dma_wait3A_337 = arith.constant 0 : i32
        %dma_wait3A_338 = tpu.memref_slice %arg4[%dma_wait3A_336, %dma_wait3A_337] : memref<1638400x128xf32, #tpu.memory_space<hbm>> -> memref<128x128xf32, #tpu.memory_space<hbm>>
        %dma_wait3A_339 = arith.constant 256 : i32
        %dma_wait3A_340 = arith.constant 0 : i32
        %dma_wait3A_341 = tpu.memref_slice %arg7[%dma_wait3A_339, %dma_wait3A_340] : memref<512x128xf32, #tpu.memory_space<vmem>> -> memref<128x128xf32, #tpu.memory_space<vmem>>
        tpu.wait_dma2 semaphore(%arg13 : memref<!tpu.dma_semaphore, #tpu.memory_space<semaphore_mem>>) src(%dma_wait3A_341 : memref<128x128xf32, #tpu.memory_space<vmem>>) dst(%dma_wait3A_338 : memref<128x128xf32, #tpu.memory_space<hbm>>)
      } else {
      }
      %dma_start3A_247 = arith.constant 256 : i32
      %dma_start3A_248 = arith.constant 0 : i32
      %dma_start3A_249 = tpu.memref_slice %arg7[%dma_start3A_247, %dma_start3A_248] : memref<512x128xf32, #tpu.memory_space<vmem>> -> memref<128x128xf32, #tpu.memory_space<vmem>>
      %dma_start3A_250 = arith.constant 0 : i32
      %dma_start3A_251 = tpu.memref_slice %arg6[%add3A_241, %dma_start3A_250] : memref<200x128xi32, #tpu.memory_space<vmem>> -> memref<1x128xi32, #tpu.memory_space<vmem>>
      %dma_start3A_252 = tpu.memref_squeeze %dma_start3A_251 : memref<1x128xi32, #tpu.memory_space<vmem>> -> memref<128xi32, #tpu.memory_space<vmem>>
      %dma_start3A_253 = arith.constant 0 : i32
      %dma_start3A_254 = arith.constant 0 : i32
      %dma_start3A_255 = tpu.memref_slice %arg8[%dma_start3A_253, %dma_start3A_254] : memref<3136x128xf32, #tpu.memory_space<vmem_shared>> -> memref<3136x128xf32, #tpu.memory_space<vmem_shared>>
      tpu.enqueue_indirect_dma source(%dma_start3A_255 : memref<3136x128xf32, #tpu.memory_space<vmem_shared>>) target(%dma_start3A_249 : memref<128x128xf32, #tpu.memory_space<vmem>>) offsets(%dma_start3A_252 : memref<128xi32, #tpu.memory_space<vmem>>) semaphore(%arg10 : memref<!tpu.dma_semaphore, #tpu.memory_space<semaphore_mem>>)
      %sub3A_256 = arith.constant 1 : i32
      %sub3A_257 = arith.subi %add3A_241, %sub3A_256 : i32
      %dma_wait3A_258 = arith.constant 128 : i32
      %dma_wait3A_259 = arith.constant 0 : i32
      %dma_wait3A_260 = tpu.memref_slice %arg7[%dma_wait3A_258, %dma_wait3A_259] : memref<512x128xf32, #tpu.memory_space<vmem>> -> memref<128x128xf32, #tpu.memory_space<vmem>>
      %dma_wait3A_261 = arith.constant 0 : i32
      %dma_wait3A_262 = tpu.memref_slice %arg6[%sub3A_257, %dma_wait3A_261] : memref<200x128xi32, #tpu.memory_space<vmem>> -> memref<1x128xi32, #tpu.memory_space<vmem>>
      %dma_wait3A_263 = tpu.memref_squeeze %dma_wait3A_262 : memref<1x128xi32, #tpu.memory_space<vmem>> -> memref<128xi32, #tpu.memory_space<vmem>>
      %dma_wait3A_264 = arith.constant 0 : i32
      %dma_wait3A_265 = arith.constant 0 : i32
      %dma_wait3A_266 = tpu.memref_slice %arg8[%dma_wait3A_264, %dma_wait3A_265] : memref<3136x128xf32, #tpu.memory_space<vmem_shared>> -> memref<3136x128xf32, #tpu.memory_space<vmem_shared>>
      tpu.wait_indirect_dma semaphore(%arg10 : memref<!tpu.dma_semaphore, #tpu.memory_space<semaphore_mem>>) src(%dma_wait3A_266 : memref<3136x128xf32, #tpu.memory_space<vmem_shared>>) dst(%dma_wait3A_260 : memref<128x128xf32, #tpu.memory_space<vmem>>)
      %add3A_267 = arith.constant 0 : i32
      %add3A_268 = arith.addi %add3A_267, %add3A_241 : i32
      %sub3A_269 = arith.constant 1 : i32
      %sub3A_270 = arith.subi %add3A_268, %sub3A_269 : i32
      %mul3A_271 = arith.constant 128 : i32
      %mul3A_272 = arith.muli %sub3A_270, %mul3A_271 : i32
      %add3A_273 = arith.addi %mul3A_4, %mul3A_272 : i32
      %dma_start3A_274 = arith.constant 128 : i32
      %dma_start3A_275 = arith.constant 0 : i32
      %dma_start3A_276 = tpu.memref_slice %arg7[%dma_start3A_274, %dma_start3A_275] : memref<512x128xf32, #tpu.memory_space<vmem>> -> memref<128x128xf32, #tpu.memory_space<vmem>>
      %dma_start3A_277 = arith.constant 0 : i32
      %dma_start3A_278 = tpu.memref_slice %arg4[%add3A_273, %dma_start3A_277] : memref<1638400x128xf32, #tpu.memory_space<hbm>> -> memref<128x128xf32, #tpu.memory_space<hbm>>
      %dma_start3A_279 = arith.constant 0 : i32
      %dma_start3A_280 = tpu.memref_slice %arg4[%add3A_273, %dma_start3A_279] : memref<1638400x128xf32, #tpu.memory_space<hbm>> -> memref<128x128xf32, #tpu.memory_space<hbm>>
      %dma_start3A_281 = arith.constant 128 : i32
      %dma_start3A_282 = arith.constant 0 : i32
      %dma_start3A_283 = tpu.memref_slice %arg7[%dma_start3A_281, %dma_start3A_282] : memref<512x128xf32, #tpu.memory_space<vmem>> -> memref<128x128xf32, #tpu.memory_space<vmem>>
      tpu.enqueue_dma source(%dma_start3A_283 : memref<128x128xf32, #tpu.memory_space<vmem>>) target(%dma_start3A_280 : memref<128x128xf32, #tpu.memory_space<hbm>>) target_semaphore(%arg12 : memref<!tpu.dma_semaphore, #tpu.memory_space<semaphore_mem>>)
      %mul3A_284 = arith.constant 4 : i32
      %mul3A_285 = arith.muli %mul3A_284, %scan3A_172 : i32
      %add3A_286 = arith.constant 3 : i32
      %add3A_287 = arith.addi %mul3A_285, %add3A_286 : i32
      %ge3A_288 = arith.constant 1 : i32
      %ge3A_289 = arith.cmpi sge, %scan3A_172, %ge3A_288 : i32
      %convert_element_type3A_290 = arith.extui %ge3A_289 : i1 to i32
      %cond3A_291 = arith.constant 0 : i32
      %cond3A_292 = arith.cmpi ne, %convert_element_type3A_290, %cond3A_291 : i32
      scf.if %cond3A_292 {
        %dma_wait3A_330 = arith.constant 384 : i32
        %dma_wait3A_331 = arith.constant 0 : i32
        %dma_wait3A_332 = tpu.memref_slice %arg7[%dma_wait3A_330, %dma_wait3A_331] : memref<512x128xf32, #tpu.memory_space<vmem>> -> memref<128x128xf32, #tpu.memory_space<vmem>>
        %dma_wait3A_333 = arith.constant 0 : i32
        %dma_wait3A_334 = arith.constant 0 : i32
        %dma_wait3A_335 = tpu.memref_slice %arg4[%dma_wait3A_333, %dma_wait3A_334] : memref<1638400x128xf32, #tpu.memory_space<hbm>> -> memref<128x128xf32, #tpu.memory_space<hbm>>
        %dma_wait3A_336 = arith.constant 0 : i32
        %dma_wait3A_337 = arith.constant 0 : i32
        %dma_wait3A_338 = tpu.memref_slice %arg4[%dma_wait3A_336, %dma_wait3A_337] : memref<1638400x128xf32, #tpu.memory_space<hbm>> -> memref<128x128xf32, #tpu.memory_space<hbm>>
        %dma_wait3A_339 = arith.constant 384 : i32
        %dma_wait3A_340 = arith.constant 0 : i32
        %dma_wait3A_341 = tpu.memref_slice %arg7[%dma_wait3A_339, %dma_wait3A_340] : memref<512x128xf32, #tpu.memory_space<vmem>> -> memref<128x128xf32, #tpu.memory_space<vmem>>
        tpu.wait_dma2 semaphore(%arg14 : memref<!tpu.dma_semaphore, #tpu.memory_space<semaphore_mem>>) src(%dma_wait3A_341 : memref<128x128xf32, #tpu.memory_space<vmem>>) dst(%dma_wait3A_338 : memref<128x128xf32, #tpu.memory_space<hbm>>)
      } else {
      }
      %dma_start3A_293 = arith.constant 384 : i32
      %dma_start3A_294 = arith.constant 0 : i32
      %dma_start3A_295 = tpu.memref_slice %arg7[%dma_start3A_293, %dma_start3A_294] : memref<512x128xf32, #tpu.memory_space<vmem>> -> memref<128x128xf32, #tpu.memory_space<vmem>>
      %dma_start3A_296 = arith.constant 0 : i32
      %dma_start3A_297 = tpu.memref_slice %arg6[%add3A_287, %dma_start3A_296] : memref<200x128xi32, #tpu.memory_space<vmem>> -> memref<1x128xi32, #tpu.memory_space<vmem>>
      %dma_start3A_298 = tpu.memref_squeeze %dma_start3A_297 : memref<1x128xi32, #tpu.memory_space<vmem>> -> memref<128xi32, #tpu.memory_space<vmem>>
      %dma_start3A_299 = arith.constant 0 : i32
      %dma_start3A_300 = arith.constant 0 : i32
      %dma_start3A_301 = tpu.memref_slice %arg8[%dma_start3A_299, %dma_start3A_300] : memref<3136x128xf32, #tpu.memory_space<vmem_shared>> -> memref<3136x128xf32, #tpu.memory_space<vmem_shared>>
      tpu.enqueue_indirect_dma source(%dma_start3A_301 : memref<3136x128xf32, #tpu.memory_space<vmem_shared>>) target(%dma_start3A_295 : memref<128x128xf32, #tpu.memory_space<vmem>>) offsets(%dma_start3A_298 : memref<128xi32, #tpu.memory_space<vmem>>) semaphore(%arg10 : memref<!tpu.dma_semaphore, #tpu.memory_space<semaphore_mem>>)
      %sub3A_302 = arith.constant 1 : i32
      %sub3A_303 = arith.subi %add3A_287, %sub3A_302 : i32
      %dma_wait3A_304 = arith.constant 256 : i32
      %dma_wait3A_305 = arith.constant 0 : i32
      %dma_wait3A_306 = tpu.memref_slice %arg7[%dma_wait3A_304, %dma_wait3A_305] : memref<512x128xf32, #tpu.memory_space<vmem>> -> memref<128x128xf32, #tpu.memory_space<vmem>>
      %dma_wait3A_307 = arith.constant 0 : i32
      %dma_wait3A_308 = tpu.memref_slice %arg6[%sub3A_303, %dma_wait3A_307] : memref<200x128xi32, #tpu.memory_space<vmem>> -> memref<1x128xi32, #tpu.memory_space<vmem>>
      %dma_wait3A_309 = tpu.memref_squeeze %dma_wait3A_308 : memref<1x128xi32, #tpu.memory_space<vmem>> -> memref<128xi32, #tpu.memory_space<vmem>>
      %dma_wait3A_310 = arith.constant 0 : i32
      %dma_wait3A_311 = arith.constant 0 : i32
      %dma_wait3A_312 = tpu.memref_slice %arg8[%dma_wait3A_310, %dma_wait3A_311] : memref<3136x128xf32, #tpu.memory_space<vmem_shared>> -> memref<3136x128xf32, #tpu.memory_space<vmem_shared>>
      tpu.wait_indirect_dma semaphore(%arg10 : memref<!tpu.dma_semaphore, #tpu.memory_space<semaphore_mem>>) src(%dma_wait3A_312 : memref<3136x128xf32, #tpu.memory_space<vmem_shared>>) dst(%dma_wait3A_306 : memref<128x128xf32, #tpu.memory_space<vmem>>)
      %add3A_313 = arith.constant 0 : i32
      %add3A_314 = arith.addi %add3A_313, %add3A_287 : i32
      %sub3A_315 = arith.constant 1 : i32
      %sub3A_316 = arith.subi %add3A_314, %sub3A_315 : i32
      %mul3A_317 = arith.constant 128 : i32
      %mul3A_318 = arith.muli %sub3A_316, %mul3A_317 : i32
      %add3A_319 = arith.addi %mul3A_4, %mul3A_318 : i32
      %dma_start3A_320 = arith.constant 256 : i32
      %dma_start3A_321 = arith.constant 0 : i32
      %dma_start3A_322 = tpu.memref_slice %arg7[%dma_start3A_320, %dma_start3A_321] : memref<512x128xf32, #tpu.memory_space<vmem>> -> memref<128x128xf32, #tpu.memory_space<vmem>>
      %dma_start3A_323 = arith.constant 0 : i32
      %dma_start3A_324 = tpu.memref_slice %arg4[%add3A_319, %dma_start3A_323] : memref<1638400x128xf32, #tpu.memory_space<hbm>> -> memref<128x128xf32, #tpu.memory_space<hbm>>
      %dma_start3A_325 = arith.constant 0 : i32
      %dma_start3A_326 = tpu.memref_slice %arg4[%add3A_319, %dma_start3A_325] : memref<1638400x128xf32, #tpu.memory_space<hbm>> -> memref<128x128xf32, #tpu.memory_space<hbm>>
      %dma_start3A_327 = arith.constant 256 : i32
      %dma_start3A_328 = arith.constant 0 : i32
      %dma_start3A_329 = tpu.memref_slice %arg7[%dma_start3A_327, %dma_start3A_328] : memref<512x128xf32, #tpu.memory_space<vmem>> -> memref<128x128xf32, #tpu.memory_space<vmem>>
      tpu.enqueue_dma source(%dma_start3A_329 : memref<128x128xf32, #tpu.memory_space<vmem>>) target(%dma_start3A_326 : memref<128x128xf32, #tpu.memory_space<hbm>>) target_semaphore(%arg13 : memref<!tpu.dma_semaphore, #tpu.memory_space<semaphore_mem>>)
    }
    %scan3A_23 = arith.constant 50 : i32
    %dma_wait3A_24 = arith.constant 199 : i32
    %dma_wait3A_25 = arith.constant 384 : i32
    %dma_wait3A_26 = arith.constant 0 : i32
    %dma_wait3A_27 = tpu.memref_slice %arg7[%dma_wait3A_25, %dma_wait3A_26] : memref<512x128xf32, #tpu.memory_space<vmem>> -> memref<128x128xf32, #tpu.memory_space<vmem>>
    %dma_wait3A_28 = arith.constant 0 : i32
    %dma_wait3A_29 = tpu.memref_slice %arg6[%dma_wait3A_24, %dma_wait3A_28] : memref<200x128xi32, #tpu.memory_space<vmem>> -> memref<1x128xi32, #tpu.memory_space<vmem>>
    %dma_wait3A_30 = tpu.memref_squeeze %dma_wait3A_29 : memref<1x128xi32, #tpu.memory_space<vmem>> -> memref<128xi32, #tpu.memory_space<vmem>>
    %dma_wait3A_31 = arith.constant 0 : i32
    %dma_wait3A_32 = arith.constant 0 : i32
    %dma_wait3A_33 = tpu.memref_slice %arg8[%dma_wait3A_31, %dma_wait3A_32] : memref<3136x128xf32, #tpu.memory_space<vmem_shared>> -> memref<3136x128xf32, #tpu.memory_space<vmem_shared>>
    tpu.wait_indirect_dma semaphore(%arg10 : memref<!tpu.dma_semaphore, #tpu.memory_space<semaphore_mem>>) src(%dma_wait3A_33 : memref<3136x128xf32, #tpu.memory_space<vmem_shared>>) dst(%dma_wait3A_27 : memref<128x128xf32, #tpu.memory_space<vmem>>)
    %add3A_34 = arith.constant 25472 : i32
    %add3A_35 = arith.addi %mul3A_4, %add3A_34 : i32
    %dma_start3A_36 = arith.constant 384 : i32
    %dma_start3A_37 = arith.constant 0 : i32
    %dma_start3A_38 = tpu.memref_slice %arg7[%dma_start3A_36, %dma_start3A_37] : memref<512x128xf32, #tpu.memory_space<vmem>> -> memref<128x128xf32, #tpu.memory_space<vmem>>
    %dma_start3A_39 = arith.constant 0 : i32
    %dma_start3A_40 = tpu.memref_slice %arg4[%add3A_35, %dma_start3A_39] : memref<1638400x128xf32, #tpu.memory_space<hbm>> -> memref<128x128xf32, #tpu.memory_space<hbm>>
    %dma_start3A_41 = arith.constant 0 : i32
    %dma_start3A_42 = tpu.memref_slice %arg4[%add3A_35, %dma_start3A_41] : memref<1638400x128xf32, #tpu.memory_space<hbm>> -> memref<128x128xf32, #tpu.memory_space<hbm>>
    %dma_start3A_43 = arith.constant 384 : i32
    %dma_start3A_44 = arith.constant 0 : i32
    %dma_start3A_45 = tpu.memref_slice %arg7[%dma_start3A_43, %dma_start3A_44] : memref<512x128xf32, #tpu.memory_space<vmem>> -> memref<128x128xf32, #tpu.memory_space<vmem>>
    tpu.enqueue_dma source(%dma_start3A_45 : memref<128x128xf32, #tpu.memory_space<vmem>>) target(%dma_start3A_42 : memref<128x128xf32, #tpu.memory_space<hbm>>) target_semaphore(%arg14 : memref<!tpu.dma_semaphore, #tpu.memory_space<semaphore_mem>>)
    %dma_wait3A_46 = arith.constant 0 : i32
    %dma_wait3A_47 = arith.constant 0 : i32
    %dma_wait3A_48 = tpu.memref_slice %arg7[%dma_wait3A_46, %dma_wait3A_47] : memref<512x128xf32, #tpu.memory_space<vmem>> -> memref<128x128xf32, #tpu.memory_space<vmem>>
    %dma_wait3A_49 = arith.constant 0 : i32
    %dma_wait3A_50 = arith.constant 0 : i32
    %dma_wait3A_51 = tpu.memref_slice %arg4[%dma_wait3A_49, %dma_wait3A_50] : memref<1638400x128xf32, #tpu.memory_space<hbm>> -> memref<128x128xf32, #tpu.memory_space<hbm>>
    %dma_wait3A_52 = arith.constant 0 : i32
    %dma_wait3A_53 = arith.constant 0 : i32
    %dma_wait3A_54 = tpu.memref_slice %arg4[%dma_wait3A_52, %dma_wait3A_53] : memref<1638400x128xf32, #tpu.memory_space<hbm>> -> memref<128x128xf32, #tpu.memory_space<hbm>>
    %dma_wait3A_55 = arith.constant 0 : i32
    %dma_wait3A_56 = arith.constant 0 : i32
    %dma_wait3A_57 = tpu.memref_slice %arg7[%dma_wait3A_55, %dma_wait3A_56] : memref<512x128xf32, #tpu.memory_space<vmem>> -> memref<128x128xf32, #tpu.memory_space<vmem>>
    tpu.wait_dma2 semaphore(%arg11 : memref<!tpu.dma_semaphore, #tpu.memory_space<semaphore_mem>>) src(%dma_wait3A_57 : memref<128x128xf32, #tpu.memory_space<vmem>>) dst(%dma_wait3A_54 : memref<128x128xf32, #tpu.memory_space<hbm>>)
    %dma_wait3A_58 = arith.constant 128 : i32
    %dma_wait3A_59 = arith.constant 0 : i32
    %dma_wait3A_60 = tpu.memref_slice %arg7[%dma_wait3A_58, %dma_wait3A_59] : memref<512x128xf32, #tpu.memory_space<vmem>> -> memref<128x128xf32, #tpu.memory_space<vmem>>
    %dma_wait3A_61 = arith.constant 0 : i32
    %dma_wait3A_62 = arith.constant 0 : i32
    %dma_wait3A_63 = tpu.memref_slice %arg4[%dma_wait3A_61, %dma_wait3A_62] : memref<1638400x128xf32, #tpu.memory_space<hbm>> -> memref<128x128xf32, #tpu.memory_space<hbm>>
    %dma_wait3A_64 = arith.constant 0 : i32
    %dma_wait3A_65 = arith.constant 0 : i32
    %dma_wait3A_66 = tpu.memref_slice %arg4[%dma_wait3A_64, %dma_wait3A_65] : memref<1638400x128xf32, #tpu.memory_space<hbm>> -> memref<128x128xf32, #tpu.memory_space<hbm>>
    %dma_wait3A_67 = arith.constant 128 : i32
    %dma_wait3A_68 = arith.constant 0 : i32
    %dma_wait3A_69 = tpu.memref_slice %arg7[%dma_wait3A_67, %dma_wait3A_68] : memref<512x128xf32, #tpu.memory_space<vmem>> -> memref<128x128xf32, #tpu.memory_space<vmem>>
    tpu.wait_dma2 semaphore(%arg12 : memref<!tpu.dma_semaphore, #tpu.memory_space<semaphore_mem>>) src(%dma_wait3A_69 : memref<128x128xf32, #tpu.memory_space<vmem>>) dst(%dma_wait3A_66 : memref<128x128xf32, #tpu.memory_space<hbm>>)
    %dma_wait3A_70 = arith.constant 256 : i32
    %dma_wait3A_71 = arith.constant 0 : i32
    %dma_wait3A_72 = tpu.memref_slice %arg7[%dma_wait3A_70, %dma_wait3A_71] : memref<512x128xf32, #tpu.memory_space<vmem>> -> memref<128x128xf32, #tpu.memory_space<vmem>>
    %dma_wait3A_73 = arith.constant 0 : i32
    %dma_wait3A_74 = arith.constant 0 : i32
    %dma_wait3A_75 = tpu.memref_slice %arg4[%dma_wait3A_73, %dma_wait3A_74] : memref<1638400x128xf32, #tpu.memory_space<hbm>> -> memref<128x128xf32, #tpu.memory_space<hbm>>
    %dma_wait3A_76 = arith.constant 0 : i32
    %dma_wait3A_77 = arith.constant 0 : i32
    %dma_wait3A_78 = tpu.memref_slice %arg4[%dma_wait3A_76, %dma_wait3A_77] : memref<1638400x128xf32, #tpu.memory_space<hbm>> -> memref<128x128xf32, #tpu.memory_space<hbm>>
    %dma_wait3A_79 = arith.constant 256 : i32
    %dma_wait3A_80 = arith.constant 0 : i32
    %dma_wait3A_81 = tpu.memref_slice %arg7[%dma_wait3A_79, %dma_wait3A_80] : memref<512x128xf32, #tpu.memory_space<vmem>> -> memref<128x128xf32, #tpu.memory_space<vmem>>
    tpu.wait_dma2 semaphore(%arg13 : memref<!tpu.dma_semaphore, #tpu.memory_space<semaphore_mem>>) src(%dma_wait3A_81 : memref<128x128xf32, #tpu.memory_space<vmem>>) dst(%dma_wait3A_78 : memref<128x128xf32, #tpu.memory_space<hbm>>)
    %dma_wait3A_82 = arith.constant 384 : i32
    %dma_wait3A_83 = arith.constant 0 : i32
    %dma_wait3A_84 = tpu.memref_slice %arg7[%dma_wait3A_82, %dma_wait3A_83] : memref<512x128xf32, #tpu.memory_space<vmem>> -> memref<128x128xf32, #tpu.memory_space<vmem>>
    %dma_wait3A_85 = arith.constant 0 : i32
    %dma_wait3A_86 = arith.constant 0 : i32
    %dma_wait3A_87 = tpu.memref_slice %arg4[%dma_wait3A_85, %dma_wait3A_86] : memref<1638400x128xf32, #tpu.memory_space<hbm>> -> memref<128x128xf32, #tpu.memory_space<hbm>>
    %dma_wait3A_88 = arith.constant 0 : i32
    %dma_wait3A_89 = arith.constant 0 : i32
    %dma_wait3A_90 = tpu.memref_slice %arg4[%dma_wait3A_88, %dma_wait3A_89] : memref<1638400x128xf32, #tpu.memory_space<hbm>> -> memref<128x128xf32, #tpu.memory_space<hbm>>
    %dma_wait3A_91 = arith.constant 384 : i32
    %dma_wait3A_92 = arith.constant 0 : i32
    %dma_wait3A_93 = tpu.memref_slice %arg7[%dma_wait3A_91, %dma_wait3A_92] : memref<512x128xf32, #tpu.memory_space<vmem>> -> memref<128x128xf32, #tpu.memory_space<vmem>>
    tpu.wait_dma2 semaphore(%arg14 : memref<!tpu.dma_semaphore, #tpu.memory_space<semaphore_mem>>) src(%dma_wait3A_93 : memref<128x128xf32, #tpu.memory_space<vmem>>) dst(%dma_wait3A_90 : memref<128x128xf32, #tpu.memory_space<hbm>>)
    %add3A_94 = arith.constant 200 : i32
    %add3A_95 = arith.addi %mul3A_2, %add3A_94 : i32
    "tpu.region"() ({
      %run_scoped3A = tpu.sem_alloc : memref<!tpu.dma_semaphore, #tpu.memory_space<semaphore_mem>>
      %dma_start3A_172 = arith.constant 0 : i32
      %dma_start3A_173 = tpu.memref_slice %arg2[%add3A_95, %dma_start3A_172] : memref<12800x128xi32, #tpu.memory_space<hbm>> -> memref<200x128xi32, #tpu.memory_space<hbm>>
      %dma_start3A_174 = arith.constant 0 : i32
      %dma_start3A_175 = tpu.memref_slice %arg2[%add3A_95, %dma_start3A_174] : memref<12800x128xi32, #tpu.memory_space<hbm>> -> memref<200x128xi32, #tpu.memory_space<hbm>>
      tpu.enqueue_dma source(%dma_start3A_175 : memref<200x128xi32, #tpu.memory_space<hbm>>) target(%arg6 : memref<200x128xi32, #tpu.memory_space<vmem>>) target_semaphore(%run_scoped3A : memref<!tpu.dma_semaphore, #tpu.memory_space<semaphore_mem>>)
      %dma_wait3A_176 = arith.constant 0 : i32
      %dma_wait3A_177 = tpu.memref_slice %arg2[%add3A_95, %dma_wait3A_176] : memref<12800x128xi32, #tpu.memory_space<hbm>> -> memref<200x128xi32, #tpu.memory_space<hbm>>
      %dma_wait3A_178 = arith.constant 0 : i32
      %dma_wait3A_179 = tpu.memref_slice %arg2[%add3A_95, %dma_wait3A_178] : memref<12800x128xi32, #tpu.memory_space<hbm>> -> memref<200x128xi32, #tpu.memory_space<hbm>>
      tpu.wait_dma2 semaphore(%run_scoped3A : memref<!tpu.dma_semaphore, #tpu.memory_space<semaphore_mem>>) src(%dma_wait3A_179 : memref<200x128xi32, #tpu.memory_space<hbm>>) dst(%arg6 : memref<200x128xi32, #tpu.memory_space<vmem>>)
      tpu.yield
    }) : () -> ()
    %scan3A_96 = arith.constant 0 : i32
    %scan3A_97 = arith.constant 0 : i32
    %scan3A_98 = arith.constant 50 : i32
    %scan3A_99 = arith.addi %scan3A_97, %scan3A_98 : i32
    %scan3A_100 = arith.constant 1 : i32
    scf.for %scan3A_172 = %scan3A_97 to %scan3A_99 step %scan3A_100  : i32 {
      %mul3A_173 = arith.constant 4 : i32
      %mul3A_174 = arith.muli %mul3A_173, %scan3A_172 : i32
      %add3A_175 = arith.constant 0 : i32
      %add3A_176 = arith.addi %mul3A_174, %add3A_175 : i32
      %ge3A = arith.constant 1 : i32
      %ge3A_177 = arith.cmpi sge, %scan3A_172, %ge3A : i32
      %convert_element_type3A = arith.extui %ge3A_177 : i1 to i32
      %cond3A = arith.constant 0 : i32
      %cond3A_178 = arith.cmpi ne, %convert_element_type3A, %cond3A : i32
      scf.if %cond3A_178 {
        %dma_wait3A_330 = arith.constant 0 : i32
        %dma_wait3A_331 = arith.constant 0 : i32
        %dma_wait3A_332 = tpu.memref_slice %arg7[%dma_wait3A_330, %dma_wait3A_331] : memref<512x128xf32, #tpu.memory_space<vmem>> -> memref<128x128xf32, #tpu.memory_space<vmem>>
        %dma_wait3A_333 = arith.constant 0 : i32
        %dma_wait3A_334 = arith.constant 0 : i32
        %dma_wait3A_335 = tpu.memref_slice %arg4[%dma_wait3A_333, %dma_wait3A_334] : memref<1638400x128xf32, #tpu.memory_space<hbm>> -> memref<128x128xf32, #tpu.memory_space<hbm>>
        %dma_wait3A_336 = arith.constant 0 : i32
        %dma_wait3A_337 = arith.constant 0 : i32
        %dma_wait3A_338 = tpu.memref_slice %arg4[%dma_wait3A_336, %dma_wait3A_337] : memref<1638400x128xf32, #tpu.memory_space<hbm>> -> memref<128x128xf32, #tpu.memory_space<hbm>>
        %dma_wait3A_339 = arith.constant 0 : i32
        %dma_wait3A_340 = arith.constant 0 : i32
        %dma_wait3A_341 = tpu.memref_slice %arg7[%dma_wait3A_339, %dma_wait3A_340] : memref<512x128xf32, #tpu.memory_space<vmem>> -> memref<128x128xf32, #tpu.memory_space<vmem>>
        tpu.wait_dma2 semaphore(%arg11 : memref<!tpu.dma_semaphore, #tpu.memory_space<semaphore_mem>>) src(%dma_wait3A_341 : memref<128x128xf32, #tpu.memory_space<vmem>>) dst(%dma_wait3A_338 : memref<128x128xf32, #tpu.memory_space<hbm>>)
      } else {
      }
      %dma_start3A_179 = arith.constant 0 : i32
      %dma_start3A_180 = arith.constant 0 : i32
      %dma_start3A_181 = tpu.memref_slice %arg7[%dma_start3A_179, %dma_start3A_180] : memref<512x128xf32, #tpu.memory_space<vmem>> -> memref<128x128xf32, #tpu.memory_space<vmem>>
      %dma_start3A_182 = arith.constant 0 : i32
      %dma_start3A_183 = tpu.memref_slice %arg6[%add3A_176, %dma_start3A_182] : memref<200x128xi32, #tpu.memory_space<vmem>> -> memref<1x128xi32, #tpu.memory_space<vmem>>
      %dma_start3A_184 = tpu.memref_squeeze %dma_start3A_183 : memref<1x128xi32, #tpu.memory_space<vmem>> -> memref<128xi32, #tpu.memory_space<vmem>>
      %dma_start3A_185 = arith.constant 0 : i32
      %dma_start3A_186 = arith.constant 0 : i32
      %dma_start3A_187 = tpu.memref_slice %arg8[%dma_start3A_185, %dma_start3A_186] : memref<3136x128xf32, #tpu.memory_space<vmem_shared>> -> memref<3136x128xf32, #tpu.memory_space<vmem_shared>>
      tpu.enqueue_indirect_dma source(%dma_start3A_187 : memref<3136x128xf32, #tpu.memory_space<vmem_shared>>) target(%dma_start3A_181 : memref<128x128xf32, #tpu.memory_space<vmem>>) offsets(%dma_start3A_184 : memref<128xi32, #tpu.memory_space<vmem>>) semaphore(%arg10 : memref<!tpu.dma_semaphore, #tpu.memory_space<semaphore_mem>>)
      %ge3A_188 = arith.constant 1 : i32
      %ge3A_189 = arith.cmpi sge, %scan3A_172, %ge3A_188 : i32
      %convert_element_type3A_190 = arith.extui %ge3A_189 : i1 to i32
      %cond3A_191 = arith.constant 0 : i32
      %cond3A_192 = arith.cmpi ne, %convert_element_type3A_190, %cond3A_191 : i32
      scf.if %cond3A_192 {
        %sub3A_330 = arith.constant 1 : i32
        %sub3A_331 = arith.subi %add3A_176, %sub3A_330 : i32
        %dma_wait3A_332 = arith.constant 384 : i32
        %dma_wait3A_333 = arith.constant 0 : i32
        %dma_wait3A_334 = tpu.memref_slice %arg7[%dma_wait3A_332, %dma_wait3A_333] : memref<512x128xf32, #tpu.memory_space<vmem>> -> memref<128x128xf32, #tpu.memory_space<vmem>>
        %dma_wait3A_335 = arith.constant 0 : i32
        %dma_wait3A_336 = tpu.memref_slice %arg6[%sub3A_331, %dma_wait3A_335] : memref<200x128xi32, #tpu.memory_space<vmem>> -> memref<1x128xi32, #tpu.memory_space<vmem>>
        %dma_wait3A_337 = tpu.memref_squeeze %dma_wait3A_336 : memref<1x128xi32, #tpu.memory_space<vmem>> -> memref<128xi32, #tpu.memory_space<vmem>>
        %dma_wait3A_338 = arith.constant 0 : i32
        %dma_wait3A_339 = arith.constant 0 : i32
        %dma_wait3A_340 = tpu.memref_slice %arg8[%dma_wait3A_338, %dma_wait3A_339] : memref<3136x128xf32, #tpu.memory_space<vmem_shared>> -> memref<3136x128xf32, #tpu.memory_space<vmem_shared>>
        tpu.wait_indirect_dma semaphore(%arg10 : memref<!tpu.dma_semaphore, #tpu.memory_space<semaphore_mem>>) src(%dma_wait3A_340 : memref<3136x128xf32, #tpu.memory_space<vmem_shared>>) dst(%dma_wait3A_334 : memref<128x128xf32, #tpu.memory_space<vmem>>)
        %add3A_341 = arith.constant 200 : i32
        %add3A_342 = arith.addi %add3A_341, %add3A_176 : i32
        %sub3A_343 = arith.constant 1 : i32
        %sub3A_344 = arith.subi %add3A_342, %sub3A_343 : i32
        %mul3A_345 = arith.constant 128 : i32
        %mul3A_346 = arith.muli %sub3A_344, %mul3A_345 : i32
        %add3A_347 = arith.addi %mul3A_4, %mul3A_346 : i32
        %dma_start3A_348 = arith.constant 384 : i32
        %dma_start3A_349 = arith.constant 0 : i32
        %dma_start3A_350 = tpu.memref_slice %arg7[%dma_start3A_348, %dma_start3A_349] : memref<512x128xf32, #tpu.memory_space<vmem>> -> memref<128x128xf32, #tpu.memory_space<vmem>>
        %dma_start3A_351 = arith.constant 0 : i32
        %dma_start3A_352 = tpu.memref_slice %arg4[%add3A_347, %dma_start3A_351] : memref<1638400x128xf32, #tpu.memory_space<hbm>> -> memref<128x128xf32, #tpu.memory_space<hbm>>
        %dma_start3A_353 = arith.constant 0 : i32
        %dma_start3A_354 = tpu.memref_slice %arg4[%add3A_347, %dma_start3A_353] : memref<1638400x128xf32, #tpu.memory_space<hbm>> -> memref<128x128xf32, #tpu.memory_space<hbm>>
        %dma_start3A_355 = arith.constant 384 : i32
        %dma_start3A_356 = arith.constant 0 : i32
        %dma_start3A_357 = tpu.memref_slice %arg7[%dma_start3A_355, %dma_start3A_356] : memref<512x128xf32, #tpu.memory_space<vmem>> -> memref<128x128xf32, #tpu.memory_space<vmem>>
        tpu.enqueue_dma source(%dma_start3A_357 : memref<128x128xf32, #tpu.memory_space<vmem>>) target(%dma_start3A_354 : memref<128x128xf32, #tpu.memory_space<hbm>>) target_semaphore(%arg14 : memref<!tpu.dma_semaphore, #tpu.memory_space<semaphore_mem>>)
      } else {
      }
      %mul3A_193 = arith.constant 4 : i32
      %mul3A_194 = arith.muli %mul3A_193, %scan3A_172 : i32
      %add3A_195 = arith.constant 1 : i32
      %add3A_196 = arith.addi %mul3A_194, %add3A_195 : i32
      %ge3A_197 = arith.constant 1 : i32
      %ge3A_198 = arith.cmpi sge, %scan3A_172, %ge3A_197 : i32
      %convert_element_type3A_199 = arith.extui %ge3A_198 : i1 to i32
      %cond3A_200 = arith.constant 0 : i32
      %cond3A_201 = arith.cmpi ne, %convert_element_type3A_199, %cond3A_200 : i32
      scf.if %cond3A_201 {
        %dma_wait3A_330 = arith.constant 128 : i32
        %dma_wait3A_331 = arith.constant 0 : i32
        %dma_wait3A_332 = tpu.memref_slice %arg7[%dma_wait3A_330, %dma_wait3A_331] : memref<512x128xf32, #tpu.memory_space<vmem>> -> memref<128x128xf32, #tpu.memory_space<vmem>>
        %dma_wait3A_333 = arith.constant 0 : i32
        %dma_wait3A_334 = arith.constant 0 : i32
        %dma_wait3A_335 = tpu.memref_slice %arg4[%dma_wait3A_333, %dma_wait3A_334] : memref<1638400x128xf32, #tpu.memory_space<hbm>> -> memref<128x128xf32, #tpu.memory_space<hbm>>
        %dma_wait3A_336 = arith.constant 0 : i32
        %dma_wait3A_337 = arith.constant 0 : i32
        %dma_wait3A_338 = tpu.memref_slice %arg4[%dma_wait3A_336, %dma_wait3A_337] : memref<1638400x128xf32, #tpu.memory_space<hbm>> -> memref<128x128xf32, #tpu.memory_space<hbm>>
        %dma_wait3A_339 = arith.constant 128 : i32
        %dma_wait3A_340 = arith.constant 0 : i32
        %dma_wait3A_341 = tpu.memref_slice %arg7[%dma_wait3A_339, %dma_wait3A_340] : memref<512x128xf32, #tpu.memory_space<vmem>> -> memref<128x128xf32, #tpu.memory_space<vmem>>
        tpu.wait_dma2 semaphore(%arg12 : memref<!tpu.dma_semaphore, #tpu.memory_space<semaphore_mem>>) src(%dma_wait3A_341 : memref<128x128xf32, #tpu.memory_space<vmem>>) dst(%dma_wait3A_338 : memref<128x128xf32, #tpu.memory_space<hbm>>)
      } else {
      }
      %dma_start3A_202 = arith.constant 128 : i32
      %dma_start3A_203 = arith.constant 0 : i32
      %dma_start3A_204 = tpu.memref_slice %arg7[%dma_start3A_202, %dma_start3A_203] : memref<512x128xf32, #tpu.memory_space<vmem>> -> memref<128x128xf32, #tpu.memory_space<vmem>>
      %dma_start3A_205 = arith.constant 0 : i32
      %dma_start3A_206 = tpu.memref_slice %arg6[%add3A_196, %dma_start3A_205] : memref<200x128xi32, #tpu.memory_space<vmem>> -> memref<1x128xi32, #tpu.memory_space<vmem>>
      %dma_start3A_207 = tpu.memref_squeeze %dma_start3A_206 : memref<1x128xi32, #tpu.memory_space<vmem>> -> memref<128xi32, #tpu.memory_space<vmem>>
      %dma_start3A_208 = arith.constant 0 : i32
      %dma_start3A_209 = arith.constant 0 : i32
      %dma_start3A_210 = tpu.memref_slice %arg8[%dma_start3A_208, %dma_start3A_209] : memref<3136x128xf32, #tpu.memory_space<vmem_shared>> -> memref<3136x128xf32, #tpu.memory_space<vmem_shared>>
      tpu.enqueue_indirect_dma source(%dma_start3A_210 : memref<3136x128xf32, #tpu.memory_space<vmem_shared>>) target(%dma_start3A_204 : memref<128x128xf32, #tpu.memory_space<vmem>>) offsets(%dma_start3A_207 : memref<128xi32, #tpu.memory_space<vmem>>) semaphore(%arg10 : memref<!tpu.dma_semaphore, #tpu.memory_space<semaphore_mem>>)
      %sub3A = arith.constant 1 : i32
      %sub3A_211 = arith.subi %add3A_196, %sub3A : i32
      %dma_wait3A_212 = arith.constant 0 : i32
      %dma_wait3A_213 = arith.constant 0 : i32
      %dma_wait3A_214 = tpu.memref_slice %arg7[%dma_wait3A_212, %dma_wait3A_213] : memref<512x128xf32, #tpu.memory_space<vmem>> -> memref<128x128xf32, #tpu.memory_space<vmem>>
      %dma_wait3A_215 = arith.constant 0 : i32
      %dma_wait3A_216 = tpu.memref_slice %arg6[%sub3A_211, %dma_wait3A_215] : memref<200x128xi32, #tpu.memory_space<vmem>> -> memref<1x128xi32, #tpu.memory_space<vmem>>
      %dma_wait3A_217 = tpu.memref_squeeze %dma_wait3A_216 : memref<1x128xi32, #tpu.memory_space<vmem>> -> memref<128xi32, #tpu.memory_space<vmem>>
      %dma_wait3A_218 = arith.constant 0 : i32
      %dma_wait3A_219 = arith.constant 0 : i32
      %dma_wait3A_220 = tpu.memref_slice %arg8[%dma_wait3A_218, %dma_wait3A_219] : memref<3136x128xf32, #tpu.memory_space<vmem_shared>> -> memref<3136x128xf32, #tpu.memory_space<vmem_shared>>
      tpu.wait_indirect_dma semaphore(%arg10 : memref<!tpu.dma_semaphore, #tpu.memory_space<semaphore_mem>>) src(%dma_wait3A_220 : memref<3136x128xf32, #tpu.memory_space<vmem_shared>>) dst(%dma_wait3A_214 : memref<128x128xf32, #tpu.memory_space<vmem>>)
      %add3A_221 = arith.constant 200 : i32
      %add3A_222 = arith.addi %add3A_221, %add3A_196 : i32
      %sub3A_223 = arith.constant 1 : i32
      %sub3A_224 = arith.subi %add3A_222, %sub3A_223 : i32
      %mul3A_225 = arith.constant 128 : i32
      %mul3A_226 = arith.muli %sub3A_224, %mul3A_225 : i32
      %add3A_227 = arith.addi %mul3A_4, %mul3A_226 : i32
      %dma_start3A_228 = arith.constant 0 : i32
      %dma_start3A_229 = arith.constant 0 : i32
      %dma_start3A_230 = tpu.memref_slice %arg7[%dma_start3A_228, %dma_start3A_229] : memref<512x128xf32, #tpu.memory_space<vmem>> -> memref<128x128xf32, #tpu.memory_space<vmem>>
      %dma_start3A_231 = arith.constant 0 : i32
      %dma_start3A_232 = tpu.memref_slice %arg4[%add3A_227, %dma_start3A_231] : memref<1638400x128xf32, #tpu.memory_space<hbm>> -> memref<128x128xf32, #tpu.memory_space<hbm>>
      %dma_start3A_233 = arith.constant 0 : i32
      %dma_start3A_234 = tpu.memref_slice %arg4[%add3A_227, %dma_start3A_233] : memref<1638400x128xf32, #tpu.memory_space<hbm>> -> memref<128x128xf32, #tpu.memory_space<hbm>>
      %dma_start3A_235 = arith.constant 0 : i32
      %dma_start3A_236 = arith.constant 0 : i32
      %dma_start3A_237 = tpu.memref_slice %arg7[%dma_start3A_235, %dma_start3A_236] : memref<512x128xf32, #tpu.memory_space<vmem>> -> memref<128x128xf32, #tpu.memory_space<vmem>>
      tpu.enqueue_dma source(%dma_start3A_237 : memref<128x128xf32, #tpu.memory_space<vmem>>) target(%dma_start3A_234 : memref<128x128xf32, #tpu.memory_space<hbm>>) target_semaphore(%arg11 : memref<!tpu.dma_semaphore, #tpu.memory_space<semaphore_mem>>)
      %mul3A_238 = arith.constant 4 : i32
      %mul3A_239 = arith.muli %mul3A_238, %scan3A_172 : i32
      %add3A_240 = arith.constant 2 : i32
      %add3A_241 = arith.addi %mul3A_239, %add3A_240 : i32
      %ge3A_242 = arith.constant 1 : i32
      %ge3A_243 = arith.cmpi sge, %scan3A_172, %ge3A_242 : i32
      %convert_element_type3A_244 = arith.extui %ge3A_243 : i1 to i32
      %cond3A_245 = arith.constant 0 : i32
      %cond3A_246 = arith.cmpi ne, %convert_element_type3A_244, %cond3A_245 : i32
      scf.if %cond3A_246 {
        %dma_wait3A_330 = arith.constant 256 : i32
        %dma_wait3A_331 = arith.constant 0 : i32
        %dma_wait3A_332 = tpu.memref_slice %arg7[%dma_wait3A_330, %dma_wait3A_331] : memref<512x128xf32, #tpu.memory_space<vmem>> -> memref<128x128xf32, #tpu.memory_space<vmem>>
        %dma_wait3A_333 = arith.constant 0 : i32
        %dma_wait3A_334 = arith.constant 0 : i32
        %dma_wait3A_335 = tpu.memref_slice %arg4[%dma_wait3A_333, %dma_wait3A_334] : memref<1638400x128xf32, #tpu.memory_space<hbm>> -> memref<128x128xf32, #tpu.memory_space<hbm>>
        %dma_wait3A_336 = arith.constant 0 : i32
        %dma_wait3A_337 = arith.constant 0 : i32
        %dma_wait3A_338 = tpu.memref_slice %arg4[%dma_wait3A_336, %dma_wait3A_337] : memref<1638400x128xf32, #tpu.memory_space<hbm>> -> memref<128x128xf32, #tpu.memory_space<hbm>>
        %dma_wait3A_339 = arith.constant 256 : i32
        %dma_wait3A_340 = arith.constant 0 : i32
        %dma_wait3A_341 = tpu.memref_slice %arg7[%dma_wait3A_339, %dma_wait3A_340] : memref<512x128xf32, #tpu.memory_space<vmem>> -> memref<128x128xf32, #tpu.memory_space<vmem>>
        tpu.wait_dma2 semaphore(%arg13 : memref<!tpu.dma_semaphore, #tpu.memory_space<semaphore_mem>>) src(%dma_wait3A_341 : memref<128x128xf32, #tpu.memory_space<vmem>>) dst(%dma_wait3A_338 : memref<128x128xf32, #tpu.memory_space<hbm>>)
      } else {
      }
      %dma_start3A_247 = arith.constant 256 : i32
      %dma_start3A_248 = arith.constant 0 : i32
      %dma_start3A_249 = tpu.memref_slice %arg7[%dma_start3A_247, %dma_start3A_248] : memref<512x128xf32, #tpu.memory_space<vmem>> -> memref<128x128xf32, #tpu.memory_space<vmem>>
      %dma_start3A_250 = arith.constant 0 : i32
      %dma_start3A_251 = tpu.memref_slice %arg6[%add3A_241, %dma_start3A_250] : memref<200x128xi32, #tpu.memory_space<vmem>> -> memref<1x128xi32, #tpu.memory_space<vmem>>
      %dma_start3A_252 = tpu.memref_squeeze %dma_start3A_251 : memref<1x128xi32, #tpu.memory_space<vmem>> -> memref<128xi32, #tpu.memory_space<vmem>>
      %dma_start3A_253 = arith.constant 0 : i32
      %dma_start3A_254 = arith.constant 0 : i32
      %dma_start3A_255 = tpu.memref_slice %arg8[%dma_start3A_253, %dma_start3A_254] : memref<3136x128xf32, #tpu.memory_space<vmem_shared>> -> memref<3136x128xf32, #tpu.memory_space<vmem_shared>>
      tpu.enqueue_indirect_dma source(%dma_start3A_255 : memref<3136x128xf32, #tpu.memory_space<vmem_shared>>) target(%dma_start3A_249 : memref<128x128xf32, #tpu.memory_space<vmem>>) offsets(%dma_start3A_252 : memref<128xi32, #tpu.memory_space<vmem>>) semaphore(%arg10 : memref<!tpu.dma_semaphore, #tpu.memory_space<semaphore_mem>>)
      %sub3A_256 = arith.constant 1 : i32
      %sub3A_257 = arith.subi %add3A_241, %sub3A_256 : i32
      %dma_wait3A_258 = arith.constant 128 : i32
      %dma_wait3A_259 = arith.constant 0 : i32
      %dma_wait3A_260 = tpu.memref_slice %arg7[%dma_wait3A_258, %dma_wait3A_259] : memref<512x128xf32, #tpu.memory_space<vmem>> -> memref<128x128xf32, #tpu.memory_space<vmem>>
      %dma_wait3A_261 = arith.constant 0 : i32
      %dma_wait3A_262 = tpu.memref_slice %arg6[%sub3A_257, %dma_wait3A_261] : memref<200x128xi32, #tpu.memory_space<vmem>> -> memref<1x128xi32, #tpu.memory_space<vmem>>
      %dma_wait3A_263 = tpu.memref_squeeze %dma_wait3A_262 : memref<1x128xi32, #tpu.memory_space<vmem>> -> memref<128xi32, #tpu.memory_space<vmem>>
      %dma_wait3A_264 = arith.constant 0 : i32
      %dma_wait3A_265 = arith.constant 0 : i32
      %dma_wait3A_266 = tpu.memref_slice %arg8[%dma_wait3A_264, %dma_wait3A_265] : memref<3136x128xf32, #tpu.memory_space<vmem_shared>> -> memref<3136x128xf32, #tpu.memory_space<vmem_shared>>
      tpu.wait_indirect_dma semaphore(%arg10 : memref<!tpu.dma_semaphore, #tpu.memory_space<semaphore_mem>>) src(%dma_wait3A_266 : memref<3136x128xf32, #tpu.memory_space<vmem_shared>>) dst(%dma_wait3A_260 : memref<128x128xf32, #tpu.memory_space<vmem>>)
      %add3A_267 = arith.constant 200 : i32
      %add3A_268 = arith.addi %add3A_267, %add3A_241 : i32
      %sub3A_269 = arith.constant 1 : i32
      %sub3A_270 = arith.subi %add3A_268, %sub3A_269 : i32
      %mul3A_271 = arith.constant 128 : i32
      %mul3A_272 = arith.muli %sub3A_270, %mul3A_271 : i32
      %add3A_273 = arith.addi %mul3A_4, %mul3A_272 : i32
      %dma_start3A_274 = arith.constant 128 : i32
      %dma_start3A_275 = arith.constant 0 : i32
      %dma_start3A_276 = tpu.memref_slice %arg7[%dma_start3A_274, %dma_start3A_275] : memref<512x128xf32, #tpu.memory_space<vmem>> -> memref<128x128xf32, #tpu.memory_space<vmem>>
      %dma_start3A_277 = arith.constant 0 : i32
      %dma_start3A_278 = tpu.memref_slice %arg4[%add3A_273, %dma_start3A_277] : memref<1638400x128xf32, #tpu.memory_space<hbm>> -> memref<128x128xf32, #tpu.memory_space<hbm>>
      %dma_start3A_279 = arith.constant 0 : i32
      %dma_start3A_280 = tpu.memref_slice %arg4[%add3A_273, %dma_start3A_279] : memref<1638400x128xf32, #tpu.memory_space<hbm>> -> memref<128x128xf32, #tpu.memory_space<hbm>>
      %dma_start3A_281 = arith.constant 128 : i32
      %dma_start3A_282 = arith.constant 0 : i32
      %dma_start3A_283 = tpu.memref_slice %arg7[%dma_start3A_281, %dma_start3A_282] : memref<512x128xf32, #tpu.memory_space<vmem>> -> memref<128x128xf32, #tpu.memory_space<vmem>>
      tpu.enqueue_dma source(%dma_start3A_283 : memref<128x128xf32, #tpu.memory_space<vmem>>) target(%dma_start3A_280 : memref<128x128xf32, #tpu.memory_space<hbm>>) target_semaphore(%arg12 : memref<!tpu.dma_semaphore, #tpu.memory_space<semaphore_mem>>)
      %mul3A_284 = arith.constant 4 : i32
      %mul3A_285 = arith.muli %mul3A_284, %scan3A_172 : i32
      %add3A_286 = arith.constant 3 : i32
      %add3A_287 = arith.addi %mul3A_285, %add3A_286 : i32
      %ge3A_288 = arith.constant 1 : i32
      %ge3A_289 = arith.cmpi sge, %scan3A_172, %ge3A_288 : i32
      %convert_element_type3A_290 = arith.extui %ge3A_289 : i1 to i32
      %cond3A_291 = arith.constant 0 : i32
      %cond3A_292 = arith.cmpi ne, %convert_element_type3A_290, %cond3A_291 : i32
      scf.if %cond3A_292 {
        %dma_wait3A_330 = arith.constant 384 : i32
        %dma_wait3A_331 = arith.constant 0 : i32
        %dma_wait3A_332 = tpu.memref_slice %arg7[%dma_wait3A_330, %dma_wait3A_331] : memref<512x128xf32, #tpu.memory_space<vmem>> -> memref<128x128xf32, #tpu.memory_space<vmem>>
        %dma_wait3A_333 = arith.constant 0 : i32
        %dma_wait3A_334 = arith.constant 0 : i32
        %dma_wait3A_335 = tpu.memref_slice %arg4[%dma_wait3A_333, %dma_wait3A_334] : memref<1638400x128xf32, #tpu.memory_space<hbm>> -> memref<128x128xf32, #tpu.memory_space<hbm>>
        %dma_wait3A_336 = arith.constant 0 : i32
        %dma_wait3A_337 = arith.constant 0 : i32
        %dma_wait3A_338 = tpu.memref_slice %arg4[%dma_wait3A_336, %dma_wait3A_337] : memref<1638400x128xf32, #tpu.memory_space<hbm>> -> memref<128x128xf32, #tpu.memory_space<hbm>>
        %dma_wait3A_339 = arith.constant 384 : i32
        %dma_wait3A_340 = arith.constant 0 : i32
        %dma_wait3A_341 = tpu.memref_slice %arg7[%dma_wait3A_339, %dma_wait3A_340] : memref<512x128xf32, #tpu.memory_space<vmem>> -> memref<128x128xf32, #tpu.memory_space<vmem>>
        tpu.wait_dma2 semaphore(%arg14 : memref<!tpu.dma_semaphore, #tpu.memory_space<semaphore_mem>>) src(%dma_wait3A_341 : memref<128x128xf32, #tpu.memory_space<vmem>>) dst(%dma_wait3A_338 : memref<128x128xf32, #tpu.memory_space<hbm>>)
      } else {
      }
      %dma_start3A_293 = arith.constant 384 : i32
      %dma_start3A_294 = arith.constant 0 : i32
      %dma_start3A_295 = tpu.memref_slice %arg7[%dma_start3A_293, %dma_start3A_294] : memref<512x128xf32, #tpu.memory_space<vmem>> -> memref<128x128xf32, #tpu.memory_space<vmem>>
      %dma_start3A_296 = arith.constant 0 : i32
      %dma_start3A_297 = tpu.memref_slice %arg6[%add3A_287, %dma_start3A_296] : memref<200x128xi32, #tpu.memory_space<vmem>> -> memref<1x128xi32, #tpu.memory_space<vmem>>
      %dma_start3A_298 = tpu.memref_squeeze %dma_start3A_297 : memref<1x128xi32, #tpu.memory_space<vmem>> -> memref<128xi32, #tpu.memory_space<vmem>>
      %dma_start3A_299 = arith.constant 0 : i32
      %dma_start3A_300 = arith.constant 0 : i32
      %dma_start3A_301 = tpu.memref_slice %arg8[%dma_start3A_299, %dma_start3A_300] : memref<3136x128xf32, #tpu.memory_space<vmem_shared>> -> memref<3136x128xf32, #tpu.memory_space<vmem_shared>>
      tpu.enqueue_indirect_dma source(%dma_start3A_301 : memref<3136x128xf32, #tpu.memory_space<vmem_shared>>) target(%dma_start3A_295 : memref<128x128xf32, #tpu.memory_space<vmem>>) offsets(%dma_start3A_298 : memref<128xi32, #tpu.memory_space<vmem>>) semaphore(%arg10 : memref<!tpu.dma_semaphore, #tpu.memory_space<semaphore_mem>>)
      %sub3A_302 = arith.constant 1 : i32
      %sub3A_303 = arith.subi %add3A_287, %sub3A_302 : i32
      %dma_wait3A_304 = arith.constant 256 : i32
      %dma_wait3A_305 = arith.constant 0 : i32
      %dma_wait3A_306 = tpu.memref_slice %arg7[%dma_wait3A_304, %dma_wait3A_305] : memref<512x128xf32, #tpu.memory_space<vmem>> -> memref<128x128xf32, #tpu.memory_space<vmem>>
      %dma_wait3A_307 = arith.constant 0 : i32
      %dma_wait3A_308 = tpu.memref_slice %arg6[%sub3A_303, %dma_wait3A_307] : memref<200x128xi32, #tpu.memory_space<vmem>> -> memref<1x128xi32, #tpu.memory_space<vmem>>
      %dma_wait3A_309 = tpu.memref_squeeze %dma_wait3A_308 : memref<1x128xi32, #tpu.memory_space<vmem>> -> memref<128xi32, #tpu.memory_space<vmem>>
      %dma_wait3A_310 = arith.constant 0 : i32
      %dma_wait3A_311 = arith.constant 0 : i32
      %dma_wait3A_312 = tpu.memref_slice %arg8[%dma_wait3A_310, %dma_wait3A_311] : memref<3136x128xf32, #tpu.memory_space<vmem_shared>> -> memref<3136x128xf32, #tpu.memory_space<vmem_shared>>
      tpu.wait_indirect_dma semaphore(%arg10 : memref<!tpu.dma_semaphore, #tpu.memory_space<semaphore_mem>>) src(%dma_wait3A_312 : memref<3136x128xf32, #tpu.memory_space<vmem_shared>>) dst(%dma_wait3A_306 : memref<128x128xf32, #tpu.memory_space<vmem>>)
      %add3A_313 = arith.constant 200 : i32
      %add3A_314 = arith.addi %add3A_313, %add3A_287 : i32
      %sub3A_315 = arith.constant 1 : i32
      %sub3A_316 = arith.subi %add3A_314, %sub3A_315 : i32
      %mul3A_317 = arith.constant 128 : i32
      %mul3A_318 = arith.muli %sub3A_316, %mul3A_317 : i32
      %add3A_319 = arith.addi %mul3A_4, %mul3A_318 : i32
      %dma_start3A_320 = arith.constant 256 : i32
      %dma_start3A_321 = arith.constant 0 : i32
      %dma_start3A_322 = tpu.memref_slice %arg7[%dma_start3A_320, %dma_start3A_321] : memref<512x128xf32, #tpu.memory_space<vmem>> -> memref<128x128xf32, #tpu.memory_space<vmem>>
      %dma_start3A_323 = arith.constant 0 : i32
      %dma_start3A_324 = tpu.memref_slice %arg4[%add3A_319, %dma_start3A_323] : memref<1638400x128xf32, #tpu.memory_space<hbm>> -> memref<128x128xf32, #tpu.memory_space<hbm>>
      %dma_start3A_325 = arith.constant 0 : i32
      %dma_start3A_326 = tpu.memref_slice %arg4[%add3A_319, %dma_start3A_325] : memref<1638400x128xf32, #tpu.memory_space<hbm>> -> memref<128x128xf32, #tpu.memory_space<hbm>>
      %dma_start3A_327 = arith.constant 256 : i32
      %dma_start3A_328 = arith.constant 0 : i32
      %dma_start3A_329 = tpu.memref_slice %arg7[%dma_start3A_327, %dma_start3A_328] : memref<512x128xf32, #tpu.memory_space<vmem>> -> memref<128x128xf32, #tpu.memory_space<vmem>>
      tpu.enqueue_dma source(%dma_start3A_329 : memref<128x128xf32, #tpu.memory_space<vmem>>) target(%dma_start3A_326 : memref<128x128xf32, #tpu.memory_space<hbm>>) target_semaphore(%arg13 : memref<!tpu.dma_semaphore, #tpu.memory_space<semaphore_mem>>)
    }
    %scan3A_101 = arith.constant 50 : i32
    %dma_wait3A_102 = arith.constant 199 : i32
    %dma_wait3A_103 = arith.constant 384 : i32
    %dma_wait3A_104 = arith.constant 0 : i32
    %dma_wait3A_105 = tpu.memref_slice %arg7[%dma_wait3A_103, %dma_wait3A_104] : memref<512x128xf32, #tpu.memory_space<vmem>> -> memref<128x128xf32, #tpu.memory_space<vmem>>
    %dma_wait3A_106 = arith.constant 0 : i32
    %dma_wait3A_107 = tpu.memref_slice %arg6[%dma_wait3A_102, %dma_wait3A_106] : memref<200x128xi32, #tpu.memory_space<vmem>> -> memref<1x128xi32, #tpu.memory_space<vmem>>
    %dma_wait3A_108 = tpu.memref_squeeze %dma_wait3A_107 : memref<1x128xi32, #tpu.memory_space<vmem>> -> memref<128xi32, #tpu.memory_space<vmem>>
    %dma_wait3A_109 = arith.constant 0 : i32
    %dma_wait3A_110 = arith.constant 0 : i32
    %dma_wait3A_111 = tpu.memref_slice %arg8[%dma_wait3A_109, %dma_wait3A_110] : memref<3136x128xf32, #tpu.memory_space<vmem_shared>> -> memref<3136x128xf32, #tpu.memory_space<vmem_shared>>
    tpu.wait_indirect_dma semaphore(%arg10 : memref<!tpu.dma_semaphore, #tpu.memory_space<semaphore_mem>>) src(%dma_wait3A_111 : memref<3136x128xf32, #tpu.memory_space<vmem_shared>>) dst(%dma_wait3A_105 : memref<128x128xf32, #tpu.memory_space<vmem>>)
    %add3A_112 = arith.constant 51072 : i32
    %add3A_113 = arith.addi %mul3A_4, %add3A_112 : i32
    %dma_start3A_114 = arith.constant 384 : i32
    %dma_start3A_115 = arith.constant 0 : i32
    %dma_start3A_116 = tpu.memref_slice %arg7[%dma_start3A_114, %dma_start3A_115] : memref<512x128xf32, #tpu.memory_space<vmem>> -> memref<128x128xf32, #tpu.memory_space<vmem>>
    %dma_start3A_117 = arith.constant 0 : i32
    %dma_start3A_118 = tpu.memref_slice %arg4[%add3A_113, %dma_start3A_117] : memref<1638400x128xf32, #tpu.memory_space<hbm>> -> memref<128x128xf32, #tpu.memory_space<hbm>>
    %dma_start3A_119 = arith.constant 0 : i32
    %dma_start3A_120 = tpu.memref_slice %arg4[%add3A_113, %dma_start3A_119] : memref<1638400x128xf32, #tpu.memory_space<hbm>> -> memref<128x128xf32, #tpu.memory_space<hbm>>
    %dma_start3A_121 = arith.constant 384 : i32
    %dma_start3A_122 = arith.constant 0 : i32
    %dma_start3A_123 = tpu.memref_slice %arg7[%dma_start3A_121, %dma_start3A_122] : memref<512x128xf32, #tpu.memory_space<vmem>> -> memref<128x128xf32, #tpu.memory_space<vmem>>
    tpu.enqueue_dma source(%dma_start3A_123 : memref<128x128xf32, #tpu.memory_space<vmem>>) target(%dma_start3A_120 : memref<128x128xf32, #tpu.memory_space<hbm>>) target_semaphore(%arg14 : memref<!tpu.dma_semaphore, #tpu.memory_space<semaphore_mem>>)
    %dma_wait3A_124 = arith.constant 0 : i32
    %dma_wait3A_125 = arith.constant 0 : i32
    %dma_wait3A_126 = tpu.memref_slice %arg7[%dma_wait3A_124, %dma_wait3A_125] : memref<512x128xf32, #tpu.memory_space<vmem>> -> memref<128x128xf32, #tpu.memory_space<vmem>>
    %dma_wait3A_127 = arith.constant 0 : i32
    %dma_wait3A_128 = arith.constant 0 : i32
    %dma_wait3A_129 = tpu.memref_slice %arg4[%dma_wait3A_127, %dma_wait3A_128] : memref<1638400x128xf32, #tpu.memory_space<hbm>> -> memref<128x128xf32, #tpu.memory_space<hbm>>
    %dma_wait3A_130 = arith.constant 0 : i32
    %dma_wait3A_131 = arith.constant 0 : i32
    %dma_wait3A_132 = tpu.memref_slice %arg4[%dma_wait3A_130, %dma_wait3A_131] : memref<1638400x128xf32, #tpu.memory_space<hbm>> -> memref<128x128xf32, #tpu.memory_space<hbm>>
    %dma_wait3A_133 = arith.constant 0 : i32
    %dma_wait3A_134 = arith.constant 0 : i32
    %dma_wait3A_135 = tpu.memref_slice %arg7[%dma_wait3A_133, %dma_wait3A_134] : memref<512x128xf32, #tpu.memory_space<vmem>> -> memref<128x128xf32, #tpu.memory_space<vmem>>
    tpu.wait_dma2 semaphore(%arg11 : memref<!tpu.dma_semaphore, #tpu.memory_space<semaphore_mem>>) src(%dma_wait3A_135 : memref<128x128xf32, #tpu.memory_space<vmem>>) dst(%dma_wait3A_132 : memref<128x128xf32, #tpu.memory_space<hbm>>)
    %dma_wait3A_136 = arith.constant 128 : i32
    %dma_wait3A_137 = arith.constant 0 : i32
    %dma_wait3A_138 = tpu.memref_slice %arg7[%dma_wait3A_136, %dma_wait3A_137] : memref<512x128xf32, #tpu.memory_space<vmem>> -> memref<128x128xf32, #tpu.memory_space<vmem>>
    %dma_wait3A_139 = arith.constant 0 : i32
    %dma_wait3A_140 = arith.constant 0 : i32
    %dma_wait3A_141 = tpu.memref_slice %arg4[%dma_wait3A_139, %dma_wait3A_140] : memref<1638400x128xf32, #tpu.memory_space<hbm>> -> memref<128x128xf32, #tpu.memory_space<hbm>>
    %dma_wait3A_142 = arith.constant 0 : i32
    %dma_wait3A_143 = arith.constant 0 : i32
    %dma_wait3A_144 = tpu.memref_slice %arg4[%dma_wait3A_142, %dma_wait3A_143] : memref<1638400x128xf32, #tpu.memory_space<hbm>> -> memref<128x128xf32, #tpu.memory_space<hbm>>
    %dma_wait3A_145 = arith.constant 128 : i32
    %dma_wait3A_146 = arith.constant 0 : i32
    %dma_wait3A_147 = tpu.memref_slice %arg7[%dma_wait3A_145, %dma_wait3A_146] : memref<512x128xf32, #tpu.memory_space<vmem>> -> memref<128x128xf32, #tpu.memory_space<vmem>>
    tpu.wait_dma2 semaphore(%arg12 : memref<!tpu.dma_semaphore, #tpu.memory_space<semaphore_mem>>) src(%dma_wait3A_147 : memref<128x128xf32, #tpu.memory_space<vmem>>) dst(%dma_wait3A_144 : memref<128x128xf32, #tpu.memory_space<hbm>>)
    %dma_wait3A_148 = arith.constant 256 : i32
    %dma_wait3A_149 = arith.constant 0 : i32
    %dma_wait3A_150 = tpu.memref_slice %arg7[%dma_wait3A_148, %dma_wait3A_149] : memref<512x128xf32, #tpu.memory_space<vmem>> -> memref<128x128xf32, #tpu.memory_space<vmem>>
    %dma_wait3A_151 = arith.constant 0 : i32
    %dma_wait3A_152 = arith.constant 0 : i32
    %dma_wait3A_153 = tpu.memref_slice %arg4[%dma_wait3A_151, %dma_wait3A_152] : memref<1638400x128xf32, #tpu.memory_space<hbm>> -> memref<128x128xf32, #tpu.memory_space<hbm>>
    %dma_wait3A_154 = arith.constant 0 : i32
    %dma_wait3A_155 = arith.constant 0 : i32
    %dma_wait3A_156 = tpu.memref_slice %arg4[%dma_wait3A_154, %dma_wait3A_155] : memref<1638400x128xf32, #tpu.memory_space<hbm>> -> memref<128x128xf32, #tpu.memory_space<hbm>>
    %dma_wait3A_157 = arith.constant 256 : i32
    %dma_wait3A_158 = arith.constant 0 : i32
    %dma_wait3A_159 = tpu.memref_slice %arg7[%dma_wait3A_157, %dma_wait3A_158] : memref<512x128xf32, #tpu.memory_space<vmem>> -> memref<128x128xf32, #tpu.memory_space<vmem>>
    tpu.wait_dma2 semaphore(%arg13 : memref<!tpu.dma_semaphore, #tpu.memory_space<semaphore_mem>>) src(%dma_wait3A_159 : memref<128x128xf32, #tpu.memory_space<vmem>>) dst(%dma_wait3A_156 : memref<128x128xf32, #tpu.memory_space<hbm>>)
    %dma_wait3A_160 = arith.constant 384 : i32
    %dma_wait3A_161 = arith.constant 0 : i32
    %dma_wait3A_162 = tpu.memref_slice %arg7[%dma_wait3A_160, %dma_wait3A_161] : memref<512x128xf32, #tpu.memory_space<vmem>> -> memref<128x128xf32, #tpu.memory_space<vmem>>
    %dma_wait3A_163 = arith.constant 0 : i32
    %dma_wait3A_164 = arith.constant 0 : i32
    %dma_wait3A_165 = tpu.memref_slice %arg4[%dma_wait3A_163, %dma_wait3A_164] : memref<1638400x128xf32, #tpu.memory_space<hbm>> -> memref<128x128xf32, #tpu.memory_space<hbm>>
    %dma_wait3A_166 = arith.constant 0 : i32
    %dma_wait3A_167 = arith.constant 0 : i32
    %dma_wait3A_168 = tpu.memref_slice %arg4[%dma_wait3A_166, %dma_wait3A_167] : memref<1638400x128xf32, #tpu.memory_space<hbm>> -> memref<128x128xf32, #tpu.memory_space<hbm>>
    %dma_wait3A_169 = arith.constant 384 : i32
    %dma_wait3A_170 = arith.constant 0 : i32
    %dma_wait3A_171 = tpu.memref_slice %arg7[%dma_wait3A_169, %dma_wait3A_170] : memref<512x128xf32, #tpu.memory_space<vmem>> -> memref<128x128xf32, #tpu.memory_space<vmem>>
    tpu.wait_dma2 semaphore(%arg14 : memref<!tpu.dma_semaphore, #tpu.memory_space<semaphore_mem>>) src(%dma_wait3A_171 : memref<128x128xf32, #tpu.memory_space<vmem>>) dst(%dma_wait3A_168 : memref<128x128xf32, #tpu.memory_space<hbm>>)
    return
  }
}

module attributes {stable_mosaic.version = 14 : i64} {
  func.func @_pairidx_body(%arg0: i32, %arg1: memref<1600x128xi32, #tpu.memory_space<vmem>>, %arg2: memref<1600x128xi32, #tpu.memory_space<vmem>>, %arg3: memref<1600x128xi32, #tpu.memory_space<vmem>>) attributes {dimension_semantics = [#tpu.dimension_semantics<arbitrary>], iteration_bounds = array<i64: 8>, scalar_prefetch = 0 : i64, scratch_operands = 0 : i64, tpu.core_type = #tpu.core_type<tc>, window_params = [{transform_indices = @transform_0, window_bounds = array<i64: 1600, 128>}, {transform_indices = @transform_1, window_bounds = array<i64: 1600, 128>}, {transform_indices = @transform_2, window_bounds = array<i64: 1600, 128>}]} {
    %get3A = arith.constant 0 : index
    %get3A_0 = arith.constant 0 : index
    %get3A_1 = vector.load %arg1[%get3A, %get3A_0] : memref<1600x128xi32, #tpu.memory_space<vmem>>, vector<1600x128xi32>
    %mul3A = arith.constant 56 : i32
    %mul3A_2 = vector.broadcast %mul3A : i32 to vector<1600x128xi32>
    %mul3A_3 = arith.muli %get3A_1, %mul3A_2 : vector<1600x128xi32>
    %get3A_4 = arith.constant 0 : index
    %get3A_5 = arith.constant 0 : index
    %get3A_6 = vector.load %arg2[%get3A_4, %get3A_5] : memref<1600x128xi32, #tpu.memory_space<vmem>>, vector<1600x128xi32>
    %add3A = arith.addi %mul3A_3, %get3A_6 : vector<1600x128xi32>
    %swap3A = arith.constant 0 : index
    %swap3A_7 = arith.constant 0 : index
    %swap3A_8 = vector.load %arg3[%swap3A, %swap3A_7] : memref<1600x128xi32, #tpu.memory_space<vmem>>, vector<1600x128xi32>
    tpu.vector_store %arg3[%swap3A, %swap3A_7], %add3A {strides = array<i32>} : memref<1600x128xi32, #tpu.memory_space<vmem>>, vector<1600x128xi32>,
    return
  }
  func.func @transform_0(%arg0: i32) -> (i32, i32) {
    %c0_i32 = arith.constant 0 : i32
    %c0_i32_0 = arith.constant 0 : i32
    return %arg0, %c0_i32 : i32, i32
  }
  func.func @transform_1(%arg0: i32) -> (i32, i32) {
    %c0_i32 = arith.constant 0 : i32
    %c0_i32_0 = arith.constant 0 : i32
    return %arg0, %c0_i32 : i32, i32
  }
  func.func @transform_2(%arg0: i32) -> (i32, i32) {
    %c0_i32 = arith.constant 0 : i32
    %c0_i32_0 = arith.constant 0 : i32
    return %arg0, %c0_i32 : i32, i32
  }
}

module attributes {stable_mosaic.version = 14 : i64} {
  func.func @_transpose_body(%arg0: i32, %arg1: i32, %arg2: memref<1x16384x128xf32, #tpu.memory_space<vmem>>, %arg3: memref<2x64x16384xf32, #tpu.memory_space<vmem>>) attributes {dimension_semantics = [#tpu.dimension_semantics<arbitrary>, #tpu.dimension_semantics<arbitrary>], iteration_bounds = array<i64: 100, 1>, scalar_prefetch = 0 : i64, scratch_operands = 0 : i64, tpu.core_type = #tpu.core_type<tc>, window_params = [{transform_indices = @transform_0, window_bounds = array<i64: 1, 16384, 128>}, {transform_indices = @transform_1, window_bounds = array<i64: 2, 64, 16384>}]} {
    %get3A = arith.constant 0 : index
    %get3A_0 = arith.constant 0 : index
    %get3A_1 = arith.constant 0 : index
    %get3A_2 = vector.load %arg2[%get3A, %get3A_0, %get3A_1] : memref<1x16384x128xf32, #tpu.memory_space<vmem>>, vector<1x16384x128xf32>
    %reshape3A = vector.shape_cast %get3A_2 : vector<1x16384x128xf32> to vector<16384x128xf32>
    %transpose3A = tpu.transpose %reshape3A, [1, 0] : vector<16384x128xf32> -> vector<128x16384xf32>
    %reshape3A_3 = vector.shape_cast %transpose3A : vector<128x16384xf32> to vector<2x64x16384xf32>
    %swap3A = arith.constant 0 : index
    %swap3A_4 = arith.constant 0 : index
    %swap3A_5 = arith.constant 0 : index
    %swap3A_6 = vector.load %arg3[%swap3A, %swap3A_4, %swap3A_5] : memref<2x64x16384xf32, #tpu.memory_space<vmem>>, vector<2x64x16384xf32>
    tpu.vector_store %arg3[%swap3A, %swap3A_4, %swap3A_5], %reshape3A_3 {strides = array<i32>} : memref<2x64x16384xf32, #tpu.memory_space<vmem>>, vector<2x64x16384xf32>,
    return
  }
  func.func @transform_0(%arg0: i32, %arg1: i32) -> (i32, i32, i32) {
    %c0_i32 = arith.constant 0 : i32
    %c0_i32_0 = arith.constant 0 : i32
    return %arg0, %arg1, %c0_i32 : i32, i32, i32
  }
  func.func @transform_1(%arg0: i32, %arg1: i32) -> (i32, i32, i32) {
    %c0_i32 = arith.constant 0 : i32
    %c0_i32_0 = arith.constant 0 : i32
    return %arg0, %c0_i32, %arg1 : i32, i32, i32
  }
}

</mosaic_0001>

<sc_bundles>
// kernel: kernel.5.cloned.1.call-start
scs
__scs_entry_jumppad:
0x0: {  	(pc) =	sbr.rel $0x88, $3  }
0x1: {  	(tag) =	ssettag $0x0;
	lr =	simm.s32 $0x1  }
0x2: {  	[smem:$0x3F9F] =	sst lr;
	_ =	strace $0xD0000000  }
0x3: {  	_ = 	snop  }
0x4: {  	_ = 	snop  }
0x5: {  	_ = 	snop  }
0x6: {  	_ = 	snop  }
0x7: {  	_ = 	snop  }
__scs_overlays_trampoline_lowered:
0x8: {  	[smem:$0x3FAE] =	sst s0  }
0x9: {  	[smem:$0x3FAF] =	sst s1  }
0xa: {  	[smem:$0x3FB0] =	sst s2  }
0xb: {  	[smem:$0x3FB1] =	sst s3  }
0xc: {  	[smem:$0x3FB2] =	sst s4  }
0xd: {  	[smem:$0x3FB3] =	sst s5  }
0xe: {  	[smem:$0x3FB4] =	sst s6  }
0xf: {  	[smem:$0x3FB5] =	sst s7  }
0x10: {  	[smem:$0x3FB6] =	sst s8  }
0x11: {  	[smem:$0x3FB7] =	sst s9;
	s0 =	simm.s32 @!p0 $0x0  }
0x12: {  	s1 =	sld [smem:$0x3F9D];
	s0 =	simm.s32 @p0 $0x1  }
0x13: {  	[smem:$0x3FB8] =	sst s0;
	s0 =	simm.s32 @!p1 $0x0  }
0x14: {  	s2 =	sld [smem:$0x3F9C];
	s0 =	simm.s32 @p1 $0x1  }
0x15: {  	[smem:$0x3FB9] =	sst s0;
	s0 =	simm.s32 @!p2 $0x0  }
0x16: {  	s3 =	sld [smem:$0x3FDB];
	s0 =	simm.s32 @p2 $0x1  }
0x17: {  	s4 =	simm.s32 $0x1BF5;
	[smem:$0x3FBB] =	sst s0  }
0x18: {  	s0 =	sld [smem:$0x3F9E];
	_ =	swait.ge [sflag:s4], $0x0  }
0x19: {  	s7 =	sld [smem:$0x3F9F]  }
0x1a: {  	s8 =	sadd.s32 $0xFFFFE003, lr  }
0x1b: {  	s9 =	sadd.s32 $0xFFFFFEF7, lr;
	s5 =	simm.s32 $0xFFFFFFFF;
	p2 =	slt.u32 s8, $0xFFFFF086  }
0x1c: {  	p1 =	slt.u32 s9, $0xF7A;
	s5 =	simm.s32 @!p2 $0x0  }
0x1d: {  	s5 =	simm.s32 @p1 $0x1;
	p0 =	seq.s32 s7, s2  }
0x1e: {  	s7 =	smul.u32 @!p0 $0xF7A, s2;
	p2 =	seq.s32 @!p0 s5, $0x0  }
0x1f: {  	s9 =	smul.u32 $0xF7A, s1;
	s8 =	simm.s32 @!p0 $0x1BF5;
	p2 =	por !p2, p0  }
0x20: {  	[sflag:s8] =	ssyncset.s32 @!p0 $0xFFFFF086;
	s6 =	sadd.s32 @!p0 s3, s7;
	s7 =	simm.s32 @!p0 $0x108  }
0x21: {  	s3 =	sadd.s32 s3, s9;
	s6 =	sadd.s32 @!p0 $0x88, s6;
	s7 =	simm.s32 @p2 $0x1082  }
0x22: {  	[simem:s7], [sflag:s8] =	dma.local @!p0 [hbm:s6], $0xF7A  }
0x23: {  	s9 =	sor.u32 $0xD0000000, s2;
	s6 =	simm.s32 $0x108;
	_ =	swait.ge @!p0 [sflag:s8], $0x0  }
0x24: {  	s3 =	sadd.s32 $0x88, s3;
	s6 =	simm.s32 @!p1 $0x1082;
	[sflag:s4] =	ssyncset.s32 $0xFFFFF086  }
0x25: {  	[simem:s6], [sflag:s4] =	dma.local [hbm:s3], $0xF7A  }
0x26: {  	[smem:$0x3F9F] =	sst s1;
	(tag) =	ssettag s2;
	_ =	strace s9  }
0x27: {  	s1 =	sld [smem:$0x3FAF]  }
0x28: {  	s2 =	sld [smem:$0x3FB0]  }
0x29: {  	s4 =	sld [smem:$0x3FB2]  }
0x2a: {  	p0 =	seq.s32 s5, $0x0;
	s5 =	sld [smem:$0x3FB3]  }
0x2b: {  	s6 =	sld [smem:$0x3FB4]  }
0x2c: {  	s7 =	sld [smem:$0x3FB5]  }
0x2d: {  	s3 =	simm.s32 $0x108;
	s8 =	sld [smem:$0x3FB6]  }
0x2e: {  	s3 =	simm.s32 @!p0 $0x1082;
	s9 =	sld [smem:$0x3FB7]  }
0x2f: {  	lr =	sadd.s32 s0, s3;
	s0 =	sld [smem:$0x3FAE]  }
0x30: {  	s3 =	sld [smem:$0x3FB1]  }
0x31: {  	[smem:$0x3FBA] =	sst s10  }
0x32: {  	s10 =	sld [smem:$0x3FB8];
	_ =	sdelay $0x3  }
0x33: {  	p0 =	seq.s32 s10, $0x1;
	s10 =	sld [smem:$0x3FBA];
	_ =	sdelay $0x3  }
0x34: {  	[smem:$0x3FBA] =	sst s10  }
0x35: {  	s10 =	sld [smem:$0x3FB9];
	_ =	sdelay $0x3  }
0x36: {  	p1 =	seq.s32 s10, $0x1;
	s10 =	sld [smem:$0x3FBA];
	_ =	sdelay $0x3  }
0x37: {  	[smem:$0x3FBA] =	sst s10  }
0x38: {  	s10 =	sld [smem:$0x3FBB]  }
0x39: {  	_ = 	snop;
	(pc) =	sbr.ind lr, $3  }
0x3a: {  	_ = 	snop  }
0x3b: {  	_ = 	snop  }
0x3c: {  	p2 =	seq.s32 s10, $0x1;
	s10 =	sld [smem:$0x3FBA]  }
0x3d: {  	_ =	shalt  }
0x3e: {  	_ =	shalt  }
0x3f: {  	_ =	shalt  }
0x40: {  	_ =	shalt  }
0x41: {  	_ =	shalt  }
0x42: {  	_ =	shalt  }
0x43: {  	_ =	shalt  }
0x44: {  	_ =	shalt  }
0x45: {  	_ =	shalt  }
0x46: {  	_ =	shalt  }
0x47: {  	_ =	shalt  }
0x48: {  	_ =	shalt  }
0x49: {  	_ =	shalt  }
0x4a: {  	_ =	shalt  }
0x4b: {  	_ =	shalt  }
0x4c: {  	_ =	shalt  }
0x4d: {  	_ =	shalt  }
0x4e: {  	_ =	shalt  }
0x4f: {  	_ =	shalt  }
0x50: {  	_ =	shalt  }
0x51: {  	_ =	shalt  }
0x52: {  	_ =	shalt  }
0x53: {  	_ =	shalt  }
0x54: {  	_ =	shalt  }
0x55: {  	_ =	shalt  }
0x56: {  	_ =	shalt  }
0x57: {  	_ =	shalt  }
0x58: {  	_ =	shalt  }
0x59: {  	_ =	shalt  }
0x5a: {  	_ =	shalt  }
0x5b: {  	_ =	shalt  }
0x5c: {  	_ =	shalt  }
0x5d: {  	_ =	shalt  }
0x5e: {  	_ =	shalt  }
0x5f: {  	_ =	shalt  }
0x60: {  	_ =	shalt  }
0x61: {  	_ =	shalt  }
0x62: {  	_ =	shalt  }
0x63: {  	_ =	shalt  }
0x64: {  	_ =	shalt  }
0x65: {  	_ =	shalt  }
0x66: {  	_ =	shalt  }
0x67: {  	_ =	shalt  }
0x68: {  	_ =	shalt  }
0x69: {  	_ =	shalt  }
0x6a: {  	_ =	shalt  }
0x6b: {  	_ =	shalt  }
0x6c: {  	_ =	shalt  }
0x6d: {  	_ =	shalt  }
0x6e: {  	_ =	shalt  }
0x6f: {  	_ =	shalt  }
0x70: {  	_ =	shalt  }
0x71: {  	_ =	shalt  }
0x72: {  	_ =	shalt  }
0x73: {  	_ =	shalt  }
0x74: {  	_ =	shalt  }
0x75: {  	_ =	shalt  }
0x76: {  	_ =	shalt  }
0x77: {  	_ =	shalt  }
0x78: {  	_ =	shalt  }
0x79: {  	_ =	shalt  }
0x7a: {  	_ =	shalt  }
0x7b: {  	_ =	shalt  }
0x7c: {  	_ =	shalt  }
0x7d: {  	_ =	shalt  }
0x7e: {  	_ =	shalt  }
0x7f: {  	_ =	shalt  }
0x80: {  	_ =	shalt  }
0x81: {  	_ =	shalt  }
0x82: {  	_ =	shalt  }
0x83: {  	_ =	shalt  }
0x84: {  	_ =	shalt  }
0x85: {  	_ =	shalt  }
0x86: {  	_ =	shalt  }
0x87: {  	_ =	shalt  }
.Lfunc_end0:
.L_simem_size_0:
called_computation_lowered:
.L_overlay_start_0:
0x88: {  	s2 =	sld [smem:$0x3FD9]  }
0x89: {  	s3 =	sld [smem:$0x3FFE];
	_ =	sdelay $0x1  }
0x8a: {  	s1 =	srdreg.scid  }
0x8b: {  	s0 =	sand.u32 $0x1, s1  }
0x8c: {  	s17 =	sshll.u32 s0, $0xA;
	s2 =	sadd.s32 s3, s2  }
0x8d: {  	s2 =	sadd.s32 s2, s17  }
0x8e: {  	[smem:$0x3FC6] =	sst s2  }
0x8f: {  	_ = 	snop  }
0x90: {  	s2 =	sld [smem:$0x3FD0];
	(tm) =	ssettm $0x1  }
0x91: {  	s18 =	sld [smem:$0x3FFB];
	_ =	sdelay $0x3  }
0x92: {  	_ =	strace s18  }
0x93: {  	s3 =	sld [smem:$0x3FFC];
	_ =	sdelay $0x3  }
0x94: {  	_ =	strace s3  }
0x95: {  	s3 =	sld [smem:$0x3FFD];
	_ =	sdelay $0x3  }
0x96: {  	_ =	strace s3  }
0x97: {  	_ =	strace $0x8FFFFFFF  }
0x98: {  	s19 =	sld [smem:$0x3FDB];
	_ =	sdelay $0x1  }
0x99: {  	s4 =	simm.s32 $_scs_section_size  }
0x9a: {  	s5 =	simm.s32 $_size__tile_overlayer_lowered;
	s6 =	simm.s32 $_tile_overlayer_lowered  }
0x9b: {  	s22 =	simm.s32 $0x1BFF;
	s21 =	sshll.u32 s6, $0x1;
	s3 =	sadd.s32 s4, s19  }
0x9c: {  	s7 =	simm.s32 $0x0;
	s20 =	sshll.u32 s5, $0x1;
	s5 =	sadd.s32 s21, s3  }
0x9d: {  	[timem:s7], [sflag:s22] =	dma.local [hbm:s5], s20  }
0x9e: {  	_ =	swait.ge [sflag:s22], s20  }
0x9f: {  	s4 =	ssub.s32 $0x0, s20;
	[sflag:s22] =	ssyncset.done $0x0  }
0xa0: {  	[sflag:s22] =	ssyncadd.s32 s4;
	_ =	sdelay $0x1  }
0xa1: {  	s23 =	simm.s32 $0x1B8B  }
0xa2: {  	_ =	swait.ge [sflag:s23], $0x1  }
0xa3: {  	[sflag:s23] =	ssyncset.done $0x0  }
0xa4: {  	s25 =	simm.s32 $0x1B8E;
	s24 =	sld [smem:$0x3FFE];
	[sflag:s23] =	ssyncadd.s32 $0xFFFFFFFF  }
0xa5: {  	s26 =	simm.s32 $execute0_lowered;
	[smem:$0x3FD2] =	sst s25  }
0xa6: {  	s5 =	sshll.u32 s26, $0x1;
	_ =	strace $0x80000046;
	[dreg:$0x1] =	wrdreg $0xFFFFFFFF  }
0xa7: {  	s28 =	simm.s32 $_size_execute0_lowered;
	s3 =	sadd.s32 s3, s5;
	[dreg:$0x0] =	wrdreg $0x0  }
0xa8: {  	s5 =	sshll.u32 s28, $0x1;
	[dreg:$0x2] =	wrdreg s3  }
0xa9: {  	[dreg:$0x3] =	wrdreg s5  }
0xaa: {  	[dreg:$0x4] =	wrdreg $0xC0  }
0xab: {  	_ =	task [dreg:s7], $0x5FFFF  }
0xac: {  	[dreg:$0x1] =	wrdreg $0xFFFFFFFF  }
0xad: {  	[dreg:$0x0] =	wrdreg $0x60  }
0xae: {  	[dreg:$0x2] =	wrdreg s2  }
0xaf: {  	[dreg:$0x3] =	wrdreg s24  }
0xb0: {  	[dreg:$0x4] =	wrdreg $0x172000  }
0xb1: {  	[dreg:$0x5] =	wrdreg $0x9  }
0xb2: {  	_ =	task.clear_ibuf [dreg:s7], $0x6FFFF;
	_ =	strace $0x90000046  }
0xb3: {  	s29 =	simm.s32 $0x9;
	_ =	strace $0x80000048  }
0xb4: {  	_ =	swait.ge [sflag:s29], $0x1  }
0xb5: {  	[sflag:s29] =	ssyncadd.s32 $0xFFFFFFFF  }
0xb6: {  	_ =	strace $0x90000048  }
0xb7: {  	_ =	sfence  }
0xb8: {  	s30 =	sld [smem:$0x0];
	_ =	sdelay $0x2  }
0xb9: {  	s31 =	sshll.u32 s1, $0xD;
	s1 =	sshrl.u32 s1, $0x2  }
0xba: {  	s3 =	sand.u32 $0x4000, s31;
	s1 =	sadd.s32 s1, s30  }
0xbb: {  	s0 =	sor.u32 s3, s0;
	s1 =	sshll.u32 s1, $0x11  }
0xbc: {  	s0 =	sor.u32 s1, s0  }
0xbd: {  	s0 =	sadd.s32 $0x8F2B, s0  }
0xbe: {  	[sflag:s0] =	ssyncadd.remote.s32 $0x1  }
0xbf: {  	_ =	sfence.sel $0xFFFF  }
0xc0: {  	[dreg:$0x0] =	wrdreg $0xFFFFFFFF;
	(pc) =	sbr.abs _section_cstart, $3  }
0xc1: {  	[dreg:$0x1] =	wrdreg $0xFFFFFFFF  }
0xc2: {  	_ =	task.clear_ibuf [dreg:s7], $0x2FFFF;
	_ =	strace $0x9FFFFFFF  }
0xc3: {  	(tm) =	ssettm $0x7FFFFFFF  }
tec
execute0_lowered:
.L_overlay_start_1:
0x0: {  	(tag) =	ssettag $0x1  }
0x1: {  	s0 =	rddreg [dreg:$0x0]  }
0x2: {  	s1 =	rddreg [dreg:$0x1]  }
0x3: {  	s3 =	srdreg.scid;
	s12 =	stileid.u32  }
0x4: {  	s2 =	rddreg [dreg:$0x2];
	s28 =	simm.s32 $0xE80;
	s9 =	smul.u32 $0x18800, s12  }
0x5: {  	s29 =	simm.s32 $0xB200;
	s30 =	simm.s32 $0x2;
	s14 =	smul.u32 $0xC4, s12  }
0x6: {  	s31 =	simm.s32 $0xF00;
	s4 =	sand.u32 $0x1, s3;
	s18 =	smul.u32 $0xC80000, s12  }
0x7: {  	s5 =	sshll.u32 s12, $0x1;
	s3 =	simm.s32 $0x0;
	s20 =	smul.u32 $0x640000, s4  }
0x8: {  	s5 =	sor.u32 s4, s5;
	s21 =	ssub.s32 $0x2, s4;
	s4 =	smul.u32 $0xC8000, s4  }
0x9: {  	s8 =	sadd.s32 $0xA00, s1;
	[smem:$0x7FF] =	sst s3;
	s6 =	smul.u32 $0xC800, s5  }
0xa: {  	s1 =	sadd.s32 $0xC00, s1;
	_ =	strace $0x80000047;
	s7 =	smul.u32 $0x1900, s5  }
0xb: {  	[dreg:$0x4] =	wrdreg s8;
	s10 =	sshrl.u32 s21, $0x1;
	s11 =	smul.u32 $0x640000, s5  }
0xc: {  	s22 =	sshrl.u32 s9, $0x2;
	s5 =	smul.u32 $0xC8000, s5;
	s9 =	simm.s32 $0x5  }
0xd: {  	s10 =	ssub.s32 s21, s10;
	s7 =	sadd.s32 s0, s7;
	s23 =	sshrl.u32 s11, $0x3  }
0xe: {  	s24 =	sadd.s32 $0x6400, s6;
	s13 =	sshll.u32 s6, $0x4;
	s16 =	smax.u32 s10, $0x1  }
0xf: {  	s21 =	sadd.s32 s5, s1;
	s10 =	simm.s32 $0x6;
	s11 =	simm.s32 $0x0  }
0x10: {  	[dreg:$0x5] =	wrdreg s7;
	s7 =	sadd.s32 s22, s2;
	s8 =	sadd.s32 s1, s23  }
0x11: {  	s25 =	sshrl.u32 s24, $0x3;
	[dreg:$0xa] =	wrdreg s16;
	s17 =	sshll.u32 s24, $0x4  }
0x12: {  	s22 =	smul.u32 $0x190000, s12;
	s23 =	sadd.s32 $0x800, s21;
	[dreg:$0x6] =	wrdreg s7  }
0x13: {  	s24 =	smul.u32 $0xC400, s12;
	s26 =	sadd.s32 $0x63800, s8;
	[dreg:$0xe] =	wrdreg s23  }
0x14: {  	s0 =	sadd.s32 s0, s25;
	s15 =	sadd.s32 $0xC7800, s8;
	[dreg:$0x7] =	wrdreg s26  }
0x15: {  	s6 =	sadd.s32 s1, s17;
	s23 =	simm.s32 $0x7;
	[dreg:$0x8] =	wrdreg s0  }
0x16: {  	s7 =	simm.s32 $0x4;
	[dreg:$0x9] =	wrdreg s15;
	s0 =	sadd.s32 s1, s13  }
0x17: {  	[dreg:$0xb] =	wrdreg s6;
	s6 =	sadd.s32 s20, s18;
	s5 =	sadd.s32 s22, s1  }
0x18: {  	s13 =	sshrl.u32 s24, $0x2;
	s22 =	simm.s32 $0xE00;
	s24 =	simm.s32 $0x7200  }
0x19: {  	s19 =	sadd.s32 $0x64800, s0;
	s0 =	sadd.s32 $0x65000, s0;
	s6 =	sor.u32 $0x10000, s6  }
0x1a: {  	s25 =	sadd.s32 s4, s5;
	s4 =	simm.s32 $0x13200;
	[dreg:$0xc] =	wrdreg s19  }
0x1b: {  	s5 =	simm.s32 $0x3;
	[dreg:$0xd] =	wrdreg s0;
	s0 =	sadd.s32 $0x1000, s21  }
0x1c: {  	s26 =	sshrl.u32 s6, $0x3;
	s19 =	sadd.s32 $0x1800, s25;
	s21 =	sadd.s32 $0x67000, s25  }
0x1d: {  	s25 =	simm.s32 $0x1;
	[dreg:$0xf] =	wrdreg s0;
	s20 =	sadd.s32 s26, s1  }
0x1e: {  	s26 =	simm.s32 $0x80;
	s1 =	simm.s32 $0xF200;
	s0 =	simm.s32 $0xF80  }
.LBB2_1:
0x1f: {  	s6 =	rddreg [dreg:$0x5];
	s18 =	sadd.s32 $0x0, s14  }
0x20: {  	[tilespmem:s22], [sflag:$0x1] =	stream.linear.gather [hbm4b:s6+s3], $0x6400, $0x38;
	[tilespmem:$0x1D400] =	vst v63  }
0x21: {  	s6 =	sshrl.u32 s18, $0x3  }
0x22: {  	s17 =	rddreg [dreg:$0x4];
	s6 =	smulhi.u32 $0x24924925, s6  }
0x23: {  	[tilespmem:s3], [sflag:$0x7] =	stream.linear.gather [hbm4b:s17+s3], $0xE00, $0x38;
	[tilespmem:$0x1D400] =	vst v63  }
0x24: {  	_ =	swait.ge [sflag:s23], $0xE00  }
0x25: {  	s6 =	sshll.u32 s6, $0x6;
	[sflag:s23] =	ssyncset.done $0x0  }
0x26: {  	s12 =	sshrl.u32 s14, $0x3;
	s6 =	sand.u32 $0x3FFFFFC0, s6;
	[sflag:s23] =	ssyncadd.s32 $0xFFFFF200  }
0x27: {  	s12 =	smulhi.u32 $0x24924925, s12;
	v0 =	vld [tilespmem:s6+$0x0];
	_ =	sdelay $0x1  }
0x28: {  	s15 =	smul.u32 $0xFFFFC800, s12;
	_ =	sdelay $0x1  }
0x29: {  	s12 =	simm.s32 $0x7240;
	s15 =	sshra.s32 s15, $0x2  }
0x2a: {  	s18 =	sadd.s32 s15, s13;
	[tilespmem:s12+$0xFFFFFFC0] =	vst v0  }
0x2b: {  	v0 =	vld [tilespmem:s18+$0x0];
	_ =	sdelay $0x4  }
0x2c: {  	[tilespmem:s12+$0x0] =	vst v0  }
0x2d: {  	v0 =	vld [tilespmem:s6+$0x10];
	_ =	sdelay $0x4  }
0x2e: {  	[tilespmem:s12+$0xFFFFFFD0] =	vst v0  }
0x2f: {  	v0 =	vld [tilespmem:s18+$0x10];
	_ =	sdelay $0x4  }
0x30: {  	[tilespmem:s12+$0x10] =	vst v0  }
0x31: {  	v0 =	vld [tilespmem:s6+$0x20];
	_ =	sdelay $0x4  }
0x32: {  	[tilespmem:s12+$0xFFFFFFE0] =	vst v0  }
0x33: {  	v0 =	vld [tilespmem:s18+$0x20];
	_ =	sdelay $0x4  }
0x34: {  	[tilespmem:s12+$0x20] =	vst v0  }
0x35: {  	v0 =	vld [tilespmem:s6+$0x30];
	_ =	sdelay $0x4  }
0x36: {  	s16 =	sadd.s32 $0x1, s14;
	[tilespmem:s12+$0xFFFFFFF0] =	vst v0  }
0x37: {  	s15 =	simm.s32 $0x2;
	s6 =	smov.u32 s14;
	v0 =	vld [tilespmem:s18+$0x30];
	s18 =	smov.u32 s13  }
.LBB2_2:
0x38: {  	p0 =	sne.s32 s15, $0xC3;
	s16 =	sshrl.u32 s16, $0x3  }
0x39: {  	s16 =	smulhi.u32 $0x24924925, s16;
	_ =	sdelay $0x1  }
0x3a: {  	s6 =	sadd.s32 $0x1, s6;
	s16 =	sshll.u32 s16, $0x6  }
0x3b: {  	s17 =	sshrl.u32 s6, $0x3;
	s16 =	sand.u32 $0x3FFFFFC0, s16;
	[tilespmem:s12+$0x30] =	vst v0  }
0x3c: {  	s17 =	smulhi.u32 $0x24924925, s17;
	v0 =	vld [tilespmem:s16+$0x0];
	_ =	sdelay $0x1  }
0x3d: {  	s17 =	smul.u32 $0xFFFFC800, s17;
	_ =	sdelay $0x1  }
0x3e: {  	s18 =	sadd.s32 $0x40, s18;
	s12 =	sadd.s32 $0x80, s12;
	s17 =	sshra.s32 s17, $0x2  }
0x3f: {  	s17 =	sadd.s32 s17, s18;
	[tilespmem:s12+$0xFFFFFFC0] =	vst v0  }
0x40: {  	v0 =	vld [tilespmem:s17+$0x0];
	_ =	sdelay $0x4  }
0x41: {  	[tilespmem:s12+$0x0] =	vst v0  }
0x42: {  	v0 =	vld [tilespmem:s16+$0x10];
	_ =	sdelay $0x4  }
0x43: {  	[tilespmem:s12+$0xFFFFFFD0] =	vst v0  }
0x44: {  	v0 =	vld [tilespmem:s17+$0x10];
	_ =	sdelay $0x4  }
0x45: {  	[tilespmem:s12+$0x10] =	vst v0  }
0x46: {  	v0 =	vld [tilespmem:s16+$0x20];
	_ =	sdelay $0x4  }
0x47: {  	[tilespmem:s12+$0xFFFFFFE0] =	vst v0  }
0x48: {  	v0 =	vld [tilespmem:s17+$0x20];
	_ =	sdelay $0x4  }
0x49: {  	[tilespmem:s12+$0x20] =	vst v0  }
0x4a: {  	v0 =	vld [tilespmem:s16+$0x30];
	_ =	sdelay $0x1  }
.Ltmp0:
0x4b: {  	(pc) =	sbr.rel @p0 .LBB2_2-.Ltmp0, $3  }
0x4c: {  	_ =	sdelay $0x1  }
0x4d: {  	[tilespmem:s12+$0xFFFFFFF0] =	vst v0  }
0x4e: {  	s16 =	sadd.s32 s15, s14;
	s15 =	sadd.s32 $0x1, s15;
	v0 =	vld [tilespmem:s17+$0x30]  }
0x4f: {  	s15 =	sshrl.u32 s16, $0x3  }
0x50: {  	s15 =	smulhi.u32 $0x24924925, s15;
	_ =	sdelay $0x1  }
0x51: {  	s6 =	sadd.s32 $0x1, s6;
	s15 =	sshll.u32 s15, $0x6  }
0x52: {  	s6 =	sshrl.u32 s6, $0x3;
	s15 =	sand.u32 $0x3FFFFFC0, s15;
	[tilespmem:s12+$0x30] =	vst v0  }
0x53: {  	s6 =	smulhi.u32 $0x24924925, s6;
	v0 =	vld [tilespmem:s15+$0x0];
	_ =	sdelay $0x1  }
0x54: {  	s6 =	smul.u32 $0xFFFFC800, s6;
	_ =	sdelay $0x1  }
0x55: {  	s17 =	sadd.s32 $0x40, s18;
	s18 =	sadd.s32 $0x80, s12;
	s6 =	sshra.s32 s6, $0x2  }
0x56: {  	s6 =	sadd.s32 s6, s17;
	[tilespmem:s18+$0xFFFFFFC0] =	vst v0  }
0x57: {  	v0 =	vld [tilespmem:s6+$0x0];
	_ =	sdelay $0x4  }
0x58: {  	[tilespmem:s18+$0x0] =	vst v0  }
0x59: {  	v0 =	vld [tilespmem:s15+$0x10];
	_ =	sdelay $0x4  }
0x5a: {  	[tilespmem:s18+$0xFFFFFFD0] =	vst v0  }
0x5b: {  	v0 =	vld [tilespmem:s6+$0x10];
	_ =	sdelay $0x4  }
0x5c: {  	[tilespmem:s18+$0x10] =	vst v0  }
0x5d: {  	v0 =	vld [tilespmem:s15+$0x20];
	_ =	sdelay $0x4  }
0x5e: {  	[tilespmem:s18+$0xFFFFFFE0] =	vst v0  }
0x5f: {  	v0 =	vld [tilespmem:s6+$0x20];
	_ =	sdelay $0x4  }
0x60: {  	[tilespmem:s18+$0x20] =	vst v0  }
0x61: {  	v0 =	vld [tilespmem:s15+$0x30];
	_ =	sdelay $0x4  }
0x62: {  	[tilespmem:s18+$0xFFFFFFF0] =	vst v0  }
0x63: {  	v0 =	vld [tilespmem:s6+$0x30];
	_ =	sdelay $0x4  }
0x64: {  	s15 =	rddreg [dreg:$0x6];
	[tilespmem:s18+$0x30] =	vst v0  }
0x65: {  	[spmem:s15] =	stream.linear.scatter [tilespmem:s24], [sflag:$0x7], $0x6200, $0x38;
	[tilespmem:$0x1D400] =	vst v63  }
0x66: {  	_ =	swait.ge [sflag:s23], $0x6200  }
0x67: {  	[sflag:s23] =	ssyncset.done $0x0  }
0x68: {  	[sflag:s23] =	ssyncadd.s32 $0xFFFF9E00  }
0x69: {  	_ =	swait.ge [sflag:s25], $0x6400  }
0x6a: {  	[sflag:s25] =	ssyncset.done $0x0  }
0x6b: {  	[sflag:s25] =	ssyncadd.s32 $0xFFFF9C00  }
0x6c: {  	[bflag:$0x0] =	sbarrier.arrive $0xFFFF  }
0x6d: {  	[tilespmem:s24], [sflag:$0x2] =	stream.indirect.gather [spmem:s2], $0x80, s22, s26, $0xb8;
	[tilespmem:$0x1D400] =	vst v63  }
0x6e: {  	_ = 	snop  }
0x6f: {  	[tilespmem:s29], [sflag:$0x2] =	stream.indirect.gather [spmem:s2], $0x80, s28, s26, $0xb8;
	[tilespmem:$0x1D400] =	vst v63  }
0x70: {  	_ =	swait.ge [sflag:s30], $0x4000  }
0x71: {  	[sflag:s30] =	ssyncset.done $0x0  }
0x72: {  	s16 =	simm.s32 $0x0;
	[sflag:s30] =	ssyncadd.s32 $0xFFFFC000  }
0x73: {  	[hbm4b:s8+s16] =	stream.linear.scatter [tilespmem:s24], [sflag:$0x3], $0x4000, $0x38;
	[tilespmem:$0x1D400] =	vst v63  }
0x74: {  	_ = 	snop  }
0x75: {  	[tilespmem:s1], [sflag:$0x2] =	stream.indirect.gather [spmem:s2], $0x80, s31, s26, $0xb8;
	[tilespmem:$0x1D400] =	vst v63  }
0x76: {  	_ =	swait.ge [sflag:s30], $0x4000  }
0x77: {  	[sflag:s30] =	ssyncset.done $0x0  }
0x78: {  	s17 =	rddreg [dreg:$0xe];
	[sflag:s30] =	ssyncadd.s32 $0xFFFFC000  }
0x79: {  	[hbm4b:s17+s16] =	stream.linear.scatter [tilespmem:s29], [sflag:$0x4], $0x4000, $0x38;
	[tilespmem:$0x1D400] =	vst v63  }
0x7a: {  	_ = 	snop  }
0x7b: {  	[tilespmem:s4], [sflag:$0x2] =	stream.indirect.gather [spmem:s2], $0x80, s0, s26, $0xb8;
	[tilespmem:$0x1D400] =	vst v63  }
0x7c: {  	_ =	swait.ge [sflag:s30], $0x4000  }
0x7d: {  	[sflag:s30] =	ssyncset.done $0x0  }
0x7e: {  	s18 =	rddreg [dreg:$0xf];
	[sflag:s30] =	ssyncadd.s32 $0xFFFFC000  }
0x7f: {  	[hbm4b:s18+s16] =	stream.linear.scatter [tilespmem:s1], [sflag:$0x5], $0x4000, $0x38;
	[tilespmem:$0x1D400] =	vst v63  }
0x80: {  	_ =	swait.ge [sflag:s5], $0x4000  }
0x81: {  	[sflag:s5] =	ssyncset.done $0x0  }
0x82: {  	s12 =	simm.s32 $0x1000;
	[sflag:s5] =	ssyncadd.s32 $0xFFFFC000  }
0x83: {  	[tilespmem:s24], [sflag:$0x2] =	stream.indirect.gather [spmem:s2], $0x80, s12, s26, $0xb8;
	[tilespmem:$0x1D400] =	vst v63  }
0x84: {  	_ =	swait.ge [sflag:s30], $0x4000  }
0x85: {  	[sflag:s30] =	ssyncset.done $0x0  }
0x86: {  	[sflag:s30] =	ssyncadd.s32 $0xFFFFC000  }
0x87: {  	[hbm4b:s19+s3] =	stream.linear.scatter [tilespmem:s4], [sflag:$0x6], $0x4000, $0x38;
	[tilespmem:$0x1D400] =	vst v63  }
0x88: {  	_ =	swait.ge [sflag:s7], $0x4000  }
0x89: {  	[sflag:s7] =	ssyncset.done $0x0  }
0x8a: {  	s15 =	simm.s32 $0x1080;
	[sflag:s7] =	ssyncadd.s32 $0xFFFFC000  }
0x8b: {  	[tilespmem:s29], [sflag:$0x2] =	stream.indirect.gather [spmem:s2], $0x80, s15, s26, $0xb8;
	[tilespmem:$0x1D400] =	vst v63  }
0x8c: {  	_ =	swait.ge [sflag:s30], $0x4000  }
0x8d: {  	[sflag:s30] =	ssyncset.done $0x0  }
0x8e: {  	[sflag:s30] =	ssyncadd.s32 $0xFFFFC000  }
0x8f: {  	[hbm4b:s20+s3] =	stream.linear.scatter [tilespmem:s24], [sflag:$0x3], $0x4000, $0x38;
	[tilespmem:$0x1D400] =	vst v63  }
0x90: {  	_ =	swait.ge [sflag:s9], $0x4000  }
0x91: {  	[sflag:s9] =	ssyncset.done $0x0  }
0x92: {  	s16 =	simm.s32 $0x1100;
	[sflag:s9] =	ssyncadd.s32 $0xFFFFC000  }
0x93: {  	[tilespmem:s1], [sflag:$0x2] =	stream.indirect.gather [spmem:s2], $0x80, s16, s26, $0xb8;
	[tilespmem:$0x1D400] =	vst v63  }
0x94: {  	_ =	swait.ge [sflag:s30], $0x4000  }
0x95: {  	[sflag:s30] =	ssyncset.done $0x0  }
0x96: {  	s17 =	sadd.s32 $0x1000, s19;
	[sflag:s30] =	ssyncadd.s32 $0xFFFFC000  }
0x97: {  	[hbm4b:s17+s3] =	stream.linear.scatter [tilespmem:s29], [sflag:$0x4], $0x4000, $0x38;
	[tilespmem:$0x1D400] =	vst v63  }
0x98: {  	_ =	swait.ge [sflag:s10], $0x4000  }
0x99: {  	[sflag:s10] =	ssyncset.done $0x0  }
0x9a: {  	s18 =	simm.s32 $0x1180;
	[sflag:s10] =	ssyncadd.s32 $0xFFFFC000  }
0x9b: {  	[tilespmem:s4], [sflag:$0x2] =	stream.indirect.gather [spmem:s2], $0x80, s18, s26, $0xb8;
	[tilespmem:$0x1D400] =	vst v63  }
0x9c: {  	_ =	swait.ge [sflag:s30], $0x4000  }
0x9d: {  	s6 =	simm.s32 $0x800;
	s12 =	sadd.s32 $0x2000, s20;
	[sflag:s30] =	ssyncset.done $0x0  }
0x9e: {  	s15 =	sadd.s32 $0x2000, s19;
	s16 =	sadd.s32 $0x1800, s19;
	[sflag:s30] =	ssyncadd.s32 $0xFFFFC000  }
.LBB2_4:
0x9f: {  	[hbm4b:s16+s3] =	stream.linear.scatter [tilespmem:s1], [sflag:$0x5], $0x4000, $0x38;
	[tilespmem:$0x1D400] =	vst v63  }
0xa0: {  	s16 =	smov.u32 s6  }
0xa1: {  	p0 =	sne.s32 s6, $0x18000;
	s6 =	sadd.s32 $0x800, s6;
	_ =	swait.ge [sflag:s5], $0x4000  }
0xa2: {  	s16 =	sshra.s32 s16, $0x2;
	[sflag:s5] =	ssyncset.done $0x0  }
0xa3: {  	s17 =	sadd.s32 $0x1000, s16;
	[sflag:s5] =	ssyncadd.s32 $0xFFFFC000  }
0xa4: {  	[tilespmem:s24], [sflag:$0x2] =	stream.indirect.gather [spmem:s2], $0x80, s17, s26, $0xb8;
	[tilespmem:$0x1D400] =	vst v63  }
0xa5: {  	_ =	swait.ge [sflag:s30], $0x4000  }
0xa6: {  	[sflag:s30] =	ssyncset.done $0x0  }
0xa7: {  	[sflag:s30] =	ssyncadd.s32 $0xFFFFC000  }
0xa8: {  	[hbm4b:s15+s3] =	stream.linear.scatter [tilespmem:s4], [sflag:$0x6], $0x4000, $0x38;
	[tilespmem:$0x1D400] =	vst v63  }
0xa9: {  	_ =	swait.ge [sflag:s7], $0x4000  }
0xaa: {  	[sflag:s7] =	ssyncset.done $0x0  }
0xab: {  	s17 =	sadd.s32 $0x1080, s16;
	[sflag:s7] =	ssyncadd.s32 $0xFFFFC000  }
0xac: {  	[tilespmem:s29], [sflag:$0x2] =	stream.indirect.gather [spmem:s2], $0x80, s17, s26, $0xb8;
	[tilespmem:$0x1D400] =	vst v63  }
0xad: {  	_ =	swait.ge [sflag:s30], $0x4000  }
0xae: {  	[sflag:s30] =	ssyncset.done $0x0  }
0xaf: {  	[sflag:s30] =	ssyncadd.s32 $0xFFFFC000  }
0xb0: {  	[hbm4b:s12+s3] =	stream.linear.scatter [tilespmem:s24], [sflag:$0x3], $0x4000, $0x38;
	[tilespmem:$0x1D400] =	vst v63  }
0xb1: {  	_ =	swait.ge [sflag:s9], $0x4000  }
0xb2: {  	[sflag:s9] =	ssyncset.done $0x0  }
0xb3: {  	s17 =	sadd.s32 $0x1100, s16;
	[sflag:s9] =	ssyncadd.s32 $0xFFFFC000  }
0xb4: {  	[tilespmem:s1], [sflag:$0x2] =	stream.indirect.gather [spmem:s2], $0x80, s17, s26, $0xb8;
	[tilespmem:$0x1D400] =	vst v63  }
0xb5: {  	_ =	swait.ge [sflag:s30], $0x4000  }
0xb6: {  	[sflag:s30] =	ssyncset.done $0x0  }
0xb7: {  	s17 =	sadd.s32 $0x1000, s15;
	[sflag:s30] =	ssyncadd.s32 $0xFFFFC000  }
0xb8: {  	[hbm4b:s17+s3] =	stream.linear.scatter [tilespmem:s29], [sflag:$0x4], $0x4000, $0x38;
	[tilespmem:$0x1D400] =	vst v63  }
0xb9: {  	_ =	swait.ge [sflag:s10], $0x4000  }
0xba: {  	[sflag:s10] =	ssyncset.done $0x0  }
.Ltmp1:
0xbb: {  	s16 =	sadd.s32 $0x1180, s16;
	[sflag:s10] =	ssyncadd.s32 $0xFFFFC000;
	(pc) =	sbr.rel @p0 .LBB2_4-.Ltmp1, $4  }
0xbc: {  	[tilespmem:s4], [sflag:$0x2] =	stream.indirect.gather [spmem:s2], $0x80, s16, s26, $0xb8;
	[tilespmem:$0x1D400] =	vst v63  }
0xbd: {  	_ =	swait.ge [sflag:s30], $0x4000  }
0xbe: {  	s12 =	sadd.s32 $0x2000, s12;
	[sflag:s30] =	ssyncset.done $0x0  }
0xbf: {  	s16 =	sadd.s32 $0x1800, s15;
	s15 =	sadd.s32 $0x2000, s15;
	[sflag:s30] =	ssyncadd.s32 $0xFFFFC000  }
0xc0: {  	[hbm4b:s16+s3] =	stream.linear.scatter [tilespmem:s1], [sflag:$0x5], $0x4000, $0x38;
	[tilespmem:$0x1D400] =	vst v63  }
0xc1: {  	_ =	swait.ge [sflag:s30], $0x4000  }
0xc2: {  	[sflag:s30] =	ssyncset.done $0x0  }
0xc3: {  	s6 =	simm.s32 $0x0;
	s12 =	rddreg [dreg:$0x7];
	[sflag:s30] =	ssyncadd.s32 $0xFFFFC000  }
0xc4: {  	[hbm4b:s12+s6] =	stream.linear.scatter [tilespmem:s4], [sflag:$0x6], $0x4000, $0x38;
	[tilespmem:$0x1D400] =	vst v63  }
0xc5: {  	_ =	swait.ge [sflag:s5], $0x4000  }
0xc6: {  	[sflag:s5] =	ssyncset.done $0x0  }
0xc7: {  	[sflag:s5] =	ssyncadd.s32 $0xFFFFC000  }
0xc8: {  	_ =	swait.ge [sflag:s7], $0x4000  }
0xc9: {  	[sflag:s7] =	ssyncset.done $0x0  }
0xca: {  	[sflag:s7] =	ssyncadd.s32 $0xFFFFC000  }
0xcb: {  	_ =	swait.ge [sflag:s9], $0x4000  }
0xcc: {  	[sflag:s9] =	ssyncset.done $0x0  }
0xcd: {  	[sflag:s9] =	ssyncadd.s32 $0xFFFFC000  }
0xce: {  	_ =	swait.ge [sflag:s10], $0x4000  }
0xcf: {  	[sflag:s10] =	ssyncset.done $0x0  }
0xd0: {  	s17 =	rddreg [dreg:$0x8];
	[sflag:s10] =	ssyncadd.s32 $0xFFFFC000  }
0xd1: {  	[tilespmem:s22], [sflag:$0x7] =	stream.linear.gather [hbm4b:s17+s6], $0x6400, $0x38;
	[tilespmem:$0x1D400] =	vst v63  }
0xd2: {  	_ =	swait.ge [sflag:s23], $0x6400  }
0xd3: {  	[sflag:s23] =	ssyncset.done $0x0  }
0xd4: {  	[sflag:s23] =	ssyncadd.s32 $0xFFFF9C00  }
0xd5: {  	[tilespmem:s24], [sflag:$0x2] =	stream.indirect.gather [spmem:s2], $0x80, s22, s26, $0xb8;
	[tilespmem:$0x1D400] =	vst v63  }
0xd6: {  	_ = 	snop  }
0xd7: {  	[tilespmem:s29], [sflag:$0x2] =	stream.indirect.gather [spmem:s2], $0x80, s28, s26, $0xb8;
	[tilespmem:$0x1D400] =	vst v63  }
0xd8: {  	_ =	swait.ge [sflag:s30], $0x4000  }
0xd9: {  	[sflag:s30] =	ssyncset.done $0x0  }
0xda: {  	s18 =	rddreg [dreg:$0xb];
	[sflag:s30] =	ssyncadd.s32 $0xFFFFC000  }
0xdb: {  	[hbm4b:s18+s6] =	stream.linear.scatter [tilespmem:s24], [sflag:$0x3], $0x4000, $0x38;
	[tilespmem:$0x1D400] =	vst v63  }
0xdc: {  	_ = 	snop  }
0xdd: {  	[tilespmem:s1], [sflag:$0x2] =	stream.indirect.gather [spmem:s2], $0x80, s31, s26, $0xb8;
	[tilespmem:$0x1D400] =	vst v63  }
0xde: {  	_ =	swait.ge [sflag:s30], $0x4000  }
0xdf: {  	[sflag:s30] =	ssyncset.done $0x0  }
0xe0: {  	s15 =	rddreg [dreg:$0xc];
	[sflag:s30] =	ssyncadd.s32 $0xFFFFC000  }
0xe1: {  	[hbm4b:s15+s6] =	stream.linear.scatter [tilespmem:s29], [sflag:$0x4], $0x4000, $0x38;
	[tilespmem:$0x1D400] =	vst v63  }
0xe2: {  	_ = 	snop  }
0xe3: {  	[tilespmem:s4], [sflag:$0x2] =	stream.indirect.gather [spmem:s2], $0x80, s0, s26, $0xb8;
	[tilespmem:$0x1D400] =	vst v63  }
0xe4: {  	_ =	swait.ge [sflag:s30], $0x4000  }
0xe5: {  	[sflag:s30] =	ssyncset.done $0x0  }
0xe6: {  	s16 =	rddreg [dreg:$0xd];
	[sflag:s30] =	ssyncadd.s32 $0xFFFFC000  }
0xe7: {  	[hbm4b:s16+s6] =	stream.linear.scatter [tilespmem:s1], [sflag:$0x5], $0x4000, $0x38;
	[tilespmem:$0x1D400] =	vst v63  }
0xe8: {  	_ =	swait.ge [sflag:s5], $0x4000  }
0xe9: {  	[sflag:s5] =	ssyncset.done $0x0  }
0xea: {  	s17 =	simm.s32 $0x1000;
	[sflag:s5] =	ssyncadd.s32 $0xFFFFC000  }
0xeb: {  	[tilespmem:s24], [sflag:$0x2] =	stream.indirect.gather [spmem:s2], $0x80, s17, s26, $0xb8;
	[tilespmem:$0x1D400] =	vst v63  }
0xec: {  	_ =	swait.ge [sflag:s30], $0x4000  }
0xed: {  	[sflag:s30] =	ssyncset.done $0x0  }
0xee: {  	s18 =	sadd.s32 $0xFFFFE800, s21;
	[sflag:s30] =	ssyncadd.s32 $0xFFFFC000  }
0xef: {  	[hbm4b:s18+s3] =	stream.linear.scatter [tilespmem:s4], [sflag:$0x6], $0x4000, $0x38;
	[tilespmem:$0x1D400] =	vst v63  }
0xf0: {  	_ =	swait.ge [sflag:s7], $0x4000  }
0xf1: {  	[sflag:s7] =	ssyncset.done $0x0  }
0xf2: {  	s12 =	simm.s32 $0x1080;
	[sflag:s7] =	ssyncadd.s32 $0xFFFFC000  }
0xf3: {  	[tilespmem:s29], [sflag:$0x2] =	stream.indirect.gather [spmem:s2], $0x80, s12, s26, $0xb8;
	[tilespmem:$0x1D400] =	vst v63  }
0xf4: {  	_ =	swait.ge [sflag:s30], $0x4000  }
0xf5: {  	[sflag:s30] =	ssyncset.done $0x0  }
0xf6: {  	s15 =	sadd.s32 $0xFFFFF000, s21;
	[sflag:s30] =	ssyncadd.s32 $0xFFFFC000  }
0xf7: {  	[hbm4b:s15+s3] =	stream.linear.scatter [tilespmem:s24], [sflag:$0x3], $0x4000, $0x38;
	[tilespmem:$0x1D400] =	vst v63  }
0xf8: {  	_ =	swait.ge [sflag:s9], $0x4000  }
0xf9: {  	[sflag:s9] =	ssyncset.done $0x0  }
0xfa: {  	s16 =	simm.s32 $0x1100;
	[sflag:s9] =	ssyncadd.s32 $0xFFFFC000  }
0xfb: {  	[tilespmem:s1], [sflag:$0x2] =	stream.indirect.gather [spmem:s2], $0x80, s16, s26, $0xb8;
	[tilespmem:$0x1D400] =	vst v63  }
0xfc: {  	_ =	swait.ge [sflag:s30], $0x4000  }
0xfd: {  	[sflag:s30] =	ssyncset.done $0x0  }
0xfe: {  	s17 =	sadd.s32 $0xFFFFF800, s21;
	[sflag:s30] =	ssyncadd.s32 $0xFFFFC000  }
0xff: {  	[hbm4b:s17+s3] =	stream.linear.scatter [tilespmem:s29], [sflag:$0x4], $0x4000, $0x38;
	[tilespmem:$0x1D400] =	vst v63  }
0x100: {  	_ =	swait.ge [sflag:s10], $0x4000  }
0x101: {  	[sflag:s10] =	ssyncset.done $0x0  }
0x102: {  	s18 =	simm.s32 $0x1180;
	[sflag:s10] =	ssyncadd.s32 $0xFFFFC000  }
0x103: {  	[tilespmem:s4], [sflag:$0x2] =	stream.indirect.gather [spmem:s2], $0x80, s18, s26, $0xb8;
	[tilespmem:$0x1D400] =	vst v63  }
0x104: {  	_ =	swait.ge [sflag:s30], $0x4000  }
0x105: {  	s6 =	simm.s32 $0x800;
	[sflag:s30] =	ssyncset.done $0x0  }
0x106: {  	s12 =	sadd.s32 $0x2000, s21;
	s15 =	smov.u32 s21;
	[sflag:s30] =	ssyncadd.s32 $0xFFFFC000  }
.LBB2_6:
0x107: {  	[hbm4b:s15+s3] =	stream.linear.scatter [tilespmem:s1], [sflag:$0x5], $0x4000, $0x38;
	[tilespmem:$0x1D400] =	vst v63  }
0x108: {  	s16 =	smov.u32 s6;
	s15 =	smov.u32 s12  }
0x109: {  	p0 =	sne.s32 s6, $0x18000;
	s6 =	sadd.s32 $0x800, s6;
	_ =	swait.ge [sflag:s5], $0x4000  }
0x10a: {  	s16 =	sshra.s32 s16, $0x2;
	[sflag:s5] =	ssyncset.done $0x0  }
0x10b: {  	s17 =	sadd.s32 $0x1000, s16;
	[sflag:s5] =	ssyncadd.s32 $0xFFFFC000  }
0x10c: {  	[tilespmem:s24], [sflag:$0x2] =	stream.indirect.gather [spmem:s2], $0x80, s17, s26, $0xb8;
	[tilespmem:$0x1D400] =	vst v63  }
0x10d: {  	_ =	swait.ge [sflag:s30], $0x4000  }
0x10e: {  	[sflag:s30] =	ssyncset.done $0x0  }
0x10f: {  	s17 =	sadd.s32 $0xFFFFE800, s12;
	[sflag:s30] =	ssyncadd.s32 $0xFFFFC000  }
0x110: {  	[hbm4b:s17+s3] =	stream.linear.scatter [tilespmem:s4], [sflag:$0x6], $0x4000, $0x38;
	[tilespmem:$0x1D400] =	vst v63  }
0x111: {  	_ =	swait.ge [sflag:s7], $0x4000  }
0x112: {  	[sflag:s7] =	ssyncset.done $0x0  }
0x113: {  	s17 =	sadd.s32 $0x1080, s16;
	[sflag:s7] =	ssyncadd.s32 $0xFFFFC000  }
0x114: {  	[tilespmem:s29], [sflag:$0x2] =	stream.indirect.gather [spmem:s2], $0x80, s17, s26, $0xb8;
	[tilespmem:$0x1D400] =	vst v63  }
0x115: {  	_ =	swait.ge [sflag:s30], $0x4000  }
0x116: {  	[sflag:s30] =	ssyncset.done $0x0  }
0x117: {  	s17 =	sadd.s32 $0xFFFFF000, s12;
	[sflag:s30] =	ssyncadd.s32 $0xFFFFC000  }
0x118: {  	[hbm4b:s17+s3] =	stream.linear.scatter [tilespmem:s24], [sflag:$0x3], $0x4000, $0x38;
	[tilespmem:$0x1D400] =	vst v63  }
0x119: {  	_ =	swait.ge [sflag:s9], $0x4000  }
0x11a: {  	[sflag:s9] =	ssyncset.done $0x0  }
0x11b: {  	s17 =	sadd.s32 $0x1100, s16;
	[sflag:s9] =	ssyncadd.s32 $0xFFFFC000  }
0x11c: {  	[tilespmem:s1], [sflag:$0x2] =	stream.indirect.gather [spmem:s2], $0x80, s17, s26, $0xb8;
	[tilespmem:$0x1D400] =	vst v63  }
0x11d: {  	_ =	swait.ge [sflag:s30], $0x4000  }
0x11e: {  	[sflag:s30] =	ssyncset.done $0x0  }
0x11f: {  	s17 =	sadd.s32 $0xFFFFF800, s12;
	[sflag:s30] =	ssyncadd.s32 $0xFFFFC000  }
0x120: {  	[hbm4b:s17+s3] =	stream.linear.scatter [tilespmem:s29], [sflag:$0x4], $0x4000, $0x38;
	[tilespmem:$0x1D400] =	vst v63  }
0x121: {  	_ =	swait.ge [sflag:s10], $0x4000  }
0x122: {  	[sflag:s10] =	ssyncset.done $0x0  }
.Ltmp2:
0x123: {  	s16 =	sadd.s32 $0x1180, s16;
	[sflag:s10] =	ssyncadd.s32 $0xFFFFC000;
	(pc) =	sbr.rel @p0 .LBB2_6-.Ltmp2, $4  }
0x124: {  	[tilespmem:s4], [sflag:$0x2] =	stream.indirect.gather [spmem:s2], $0x80, s16, s26, $0xb8;
	[tilespmem:$0x1D400] =	vst v63  }
0x125: {  	_ =	swait.ge [sflag:s30], $0x4000  }
0x126: {  	[sflag:s30] =	ssyncset.done $0x0  }
0x127: {  	s12 =	sadd.s32 $0x2000, s12;
	[sflag:s30] =	ssyncadd.s32 $0xFFFFC000  }
0x128: {  	[hbm4b:s15+s3] =	stream.linear.scatter [tilespmem:s1], [sflag:$0x5], $0x4000, $0x38;
	[tilespmem:$0x1D400] =	vst v63  }
0x129: {  	_ =	swait.ge [sflag:s30], $0x4000  }
0x12a: {  	[sflag:s30] =	ssyncset.done $0x0  }
0x12b: {  	s6 =	rddreg [dreg:$0x9];
	[sflag:s30] =	ssyncadd.s32 $0xFFFFC000  }
0x12c: {  	[hbm4b:s6+s3] =	stream.linear.scatter [tilespmem:s4], [sflag:$0x6], $0x4000, $0x38;
	[tilespmem:$0x1D400] =	vst v63  }
0x12d: {  	_ =	swait.ge [sflag:s5], $0x4000  }
0x12e: {  	[sflag:s5] =	ssyncset.done $0x0  }
0x12f: {  	[sflag:s5] =	ssyncadd.s32 $0xFFFFC000  }
0x130: {  	_ =	swait.ge [sflag:s7], $0x4000  }
0x131: {  	[sflag:s7] =	ssyncset.done $0x0  }
0x132: {  	[sflag:s7] =	ssyncadd.s32 $0xFFFFC000  }
0x133: {  	_ =	swait.ge [sflag:s9], $0x4000  }
0x134: {  	[sflag:s9] =	ssyncset.done $0x0  }
0x135: {  	[sflag:s9] =	ssyncadd.s32 $0xFFFFC000  }
0x136: {  	_ =	swait.ge [sflag:s10], $0x4000  }
0x137: {  	s11 =	sadd.s32 $0x1, s11;
	s18 =	rddreg [dreg:$0xa]  }
0x138: {  	p0 =	sne.s32 s11, s18  }
.Ltmp3:
0x139: {  	_ = 	snop;
	(pc) =	sbr.rel @p0 .LBB2_1-.Ltmp3, $3  }
0x13a: {  	_ =	sdelay $0x1  }
0x13b: {  	[sflag:s10] =	ssyncset.done $0x0  }
0x13c: {  	[sflag:s10] =	ssyncadd.s32 $0xFFFFC000  }
0x13d: {  	_ =	sfence.sel $0x180000  }
0x13e: {  	[bflag:$0x0] =	sbarrier.arrive $0xFFFF  }
0x13f: {  	_ =	strace $0x90000047  }
0x140: {  	s0 =	stileid.u32;
	[bflag:$0x2] =	sbarrier.arrive $0xFFFF  }
0x141: {  	p0 =	sne.s32 s0, $0x0;
	s0 =	rddreg [dreg:$0x3]  }
0x142: {  	s0 =	sadd.s32 @!p0 $0x100000, s0  }
0x143: {  	[sflag:s0] =	ssyncadd.tile.s32 @!p0 $0x1;
	_ =	shalt  }
.Lfunc_end2:
_tile_overlayer_lowered:
.L_overlay_start_2:
0x144: {  	(tag) =	ssettag $0x2  }
0x145: {  	s0 =	rddreg [dreg:$0x0];
	s2 =	stileid.u32  }
0x146: {  	s1 =	rddreg [dreg:$0x1];
	p0 =	sne.s32 s2, $0x0  }
0x147: {  	s3 =	rddreg [dreg:$0x2];
	[bflag:$0x3] =	sbarrier.arrive $0xFFFF;
	s2 =	simm.s32 @!p0 $0x1C07  }
0x148: {  	[timem:s3], [sflag:s2] =	dma.local @!p0 [hbm:s0], s1  }
0x149: {  	s0 =	simm.s32 @!p0 $0x7  }
0x14a: {  	_ =	swait.ge @!p0 [sflag:s0], s1  }
0x14b: {  	s1 =	ssub.s32 @!p0 $0x0, s1;
	[sflag:s0] =	ssyncset.done @!p0 $0x0  }
0x14c: {  	[sflag:s0] =	ssyncadd.s32 @!p0 s1  }
0x14d: {  	[bflag:$0x3] =	sbarrier.arrive $0xFFFF  }
0x14e: {  	_ =	shalt  }

</sc_bundles>
